<compile_context>
chip_gen: v7x
topology: tpu7x:2x2x1
jax: 0.10.2.dev20260603
libtpu: 0.0.44.dev20260713+nightly
codegen_flags: <defaults>
</compile_context>

<pallas_src>
import functools

import jax
import jax.numpy as jnp
from jax import lax
from jax.experimental import pallas as pl
from jax.experimental.pallas import tpu as pltpu
from jax.experimental.pallas import tpu_sc as plsc

_NC = 2
_NS = 16
_LANES = 16
_NW = _NC * _NS


def _build_sc_kernel(B, L, M, C):
    n_groups = B // _LANES
    g_per_w = n_groups // _NW
    assert g_per_w == 2
    rows = M * _LANES
    mesh = plsc.VectorSubcoreMesh(core_axis_name="c", subcore_axis_name="s")

    @functools.partial(
        pl.kernel,
        out_type=(
            jax.ShapeDtypeStruct((B,), jnp.float32),
            jax.ShapeDtypeStruct((M * B * C,), jnp.float32),
        ),
        mesh=mesh,
        compiler_params=pltpu.CompilerParams(
            needs_layout_passes=False, use_tc_tiling_on_sc=False),
        scratch_types=[
            pltpu.VMEM((2, L * _LANES,), jnp.float32),
            pltpu.VMEM((2, L * _LANES,), jnp.int32),
            pltpu.VMEM((2, _LANES,), jnp.float32),
            pltpu.VMEM((2, _LANES,), jnp.int32),
            pltpu.VMEM((rows,), jnp.int32),
            pltpu.VMEM((rows, C), jnp.float32),
            pltpu.VMEM((rows * C,), jnp.float32),
            pltpu.VMEM((2 * _LANES,), jnp.float32),
            pltpu.SemaphoreType.DMA,
            pltpu.SemaphoreType.DMA,
            pltpu.SemaphoreType.DMA,
        ],
    )
    def sc_kernel(tjs_hbm, cjs_hbm, ti_hbm, ci_hbm, a_hbm,
                  phi_hbm, w_out_hbm,
                  tjs_v, cjs_v, ti_v, ci_v, idx_v, arows_v, wacc_v,
                  phi_v, sem_in, sem_g, sem_w):
        wid = lax.axis_index("s") * _NC + lax.axis_index("c")
        lane = lax.broadcasted_iota(jnp.int32, (_LANES,), 0)
        lane_mc = lane * (M * C)
        zero16 = jnp.zeros((_LANES,), jnp.float32)
        g0 = wid * 2

        in_h = []
        for k in range(2):
            g = g0 + k
            in_h.append([
                pltpu.async_copy(tjs_hbm.at[g], tjs_v.at[k], sem_in),
                pltpu.async_copy(cjs_hbm.at[g], cjs_v.at[k], sem_in),
                pltpu.async_copy(ti_hbm.at[g], ti_v.at[k], sem_in),
                pltpu.async_copy(ci_hbm.at[g], ci_v.at[k], sem_in),
            ])

        def zero_wacc():
            unroll = 24
            def zero_body(i, _):
                base = i * (_LANES * unroll)
                for u in range(unroll):
                    wacc_v[pl.ds(base + u * _LANES, _LANES)] = zero16
                return 0
            lax.fori_loop(0, rows * C // (_LANES * unroll), zero_body, 0)

        def issue_gather(k):
            for h in in_h[k]:
                h.wait()
            ci = ci_v[k]
            for m in range(M):
                idx_v[pl.ds(m * _LANES, _LANES)] = ci + (m * C)
            return pltpu.async_copy(a_hbm.at[idx_v], arows_v, sem_g)

        def run_group(k):
            ti_vec = ti_v[k]
            tlast = tjs_v[k, pl.ds((L - 1) * _LANES, _LANES)]
            d1 = jnp.exp((ti_vec - tlast) * -0.5)
            d2 = d1 * d1
            d4 = d2 * d2

            def step(l, acc):
                off = l * _LANES
                tj = tjs_v[k, pl.ds(off, _LANES)]
                cj = cjs_v[k, pl.ds(off, _LANES)]
                ts = tlast - tj
                s1 = jnp.exp(ts * -0.5)
                s2 = s1 * s1
                s4 = s2 * s2
                e_ts = [s1, s2, s4]
                e_dt = [s1 * d1, s2 * d2, s4 * d4]
                wm = [0.5, 1.0, 2.0]
                for m in range(M):
                    aval = plsc.load_gather(arows_v, [lane + m * _LANES, cj])
                    acc = acc + aval * (e_dt[m] * wm[m])
                    plsc.addupdate_scatter(
                        wacc_v, [cj + (lane_mc + m * C)],
                        e_ts[m] - e_dt[m])
                return acc

            def body4(i, acc):
                for u in range(4):
                    acc = step(4 * i + u, acc)
                return acc

            phi = lax.fori_loop(0, L // 4, body4, zero16)
            phi_v[pl.ds(k * _LANES, _LANES)] = phi

        def writeback(k):
            return [
                pltpu.async_copy(
                    wacc_v,
                    w_out_hbm.at[pl.ds((g0 + k) * _LANES * (M * C),
                                       _LANES * (M * C))],
                    sem_w)
            ]

        gather = issue_gather(0)
        zero_wacc()
        gather.wait()
        run_group(0)

        gather = issue_gather(1)
        wb = writeback(0)
        for h in wb:
            h.wait()
        zero_wacc()
        gather.wait()
        run_group(1)

        wb = writeback(1)
        phi_h = pltpu.async_copy(
            phi_v, phi_hbm.at[pl.ds(g0 * _LANES, 2 * _LANES)], sem_g)
        for h in wb:
            h.wait()
        phi_h.wait()

    return sc_kernel


def _tc_matmul(w_all, a_bf16, B, M, C, blk=256):
    def body(w_ref, a_ref, o_ref):
        acc = jnp.zeros((blk, C), jnp.float32)
        for m in range(M):
            acc = acc + lax.dot_general(
                w_ref[:, m * C:(m + 1) * C].astype(jnp.bfloat16), a_ref[m],
                (((1,), (1,)), ((), ())),
                preferred_element_type=jnp.float32)
        o_ref[...] = acc

    return pl.pallas_call(
        body,
        grid=(B // blk,),
        in_specs=[
            pl.BlockSpec((blk, M * C), lambda i: (i, 0)),
            pl.BlockSpec((M, C, C), lambda i: (0, 0, 0)),
        ],
        out_specs=pl.BlockSpec((blk, C), lambda i: (i, 0)),
        out_shape=jax.ShapeDtypeStruct((B, C), jnp.float32),
    )(w_all, a_bf16)


def kernel(ci, cjs, ti, tjs, Cs, A, w):
    M, C, _ = A.shape
    B, L = cjs.shape
    n_groups = B // _LANES

    a_flat = A.reshape(M * C, C)
    tjs_g = tjs.T.reshape(L, n_groups, _LANES).transpose(1, 0, 2)
    tjs_g = tjs_g.reshape(n_groups, L * _LANES)
    cjs_g = cjs.astype(jnp.int32).T.reshape(L, n_groups, _LANES)
    cjs_g = cjs_g.transpose(1, 0, 2).reshape(n_groups, L * _LANES)
    ti_g = ti.reshape(n_groups, _LANES)
    ci_g = ci.astype(jnp.int32).reshape(n_groups, _LANES)

    sc = _build_sc_kernel(B, L, M, C)
    phi_flat, w_flat = sc(tjs_g, cjs_g, ti_g, ci_g, a_flat)

    w_all = w_flat.reshape(B, M * C)
    pHi = _tc_matmul(w_all, A.astype(jnp.bfloat16), B, M, C)
    return phi_flat.reshape(B, 1), pHi

# --- scband reference (transcript-rebuilt; emitter-appended) ---
"""Pipeline reference for scband-basic-endogenous-impact-84988812853339 (READ-ONLY COPY).

The authoritative reference and input builder live on the scoring server;
editing this copy changes nothing except your own understanding.
"""

import jax, jax.numpy as jnp
import numpy as np

NUM_TYPE = 1000
NUM_BASE = 3
BATCH = 1024
MEM = 200


def setup_inputs(seed: int = 0) -> dict:
    key = jax.random.key(seed)
    k1, k2, k3, k4, k5 = jax.random.split(key, 5)
    ci = jax.random.randint(k1, (BATCH, 1), 0, NUM_TYPE)
    cjs = jax.random.randint(k2, (BATCH, MEM), 0, NUM_TYPE)
    # sorted history timestamps, event time strictly after the last history event
    tjs = jnp.sort(jax.random.uniform(k3, (BATCH, MEM), dtype=jnp.float32) * 10.0, axis=1)
    ti = tjs[:, -1:] + 0.1 + jax.random.uniform(k4, (BATCH, 1), dtype=jnp.float32)
    Cs = jnp.arange(NUM_TYPE).reshape(NUM_TYPE, 1)
    # learned params: M embedding tables a_{kk'm}, uniform(0.01/C, 1/C) as in __init__
    A = jax.random.uniform(k5, (NUM_BASE, NUM_TYPE, NUM_TYPE), minval=0.01 / NUM_TYPE, maxval=1.0 / NUM_TYPE, dtype=jnp.float32)
    # exponential decay kernel bandwidths w_m: g_m(t) = w_m * exp(-w_m t), G_m(t) = 1 - exp(-w_m t)
    w = jnp.array([0.5, 1.0, 2.0], dtype=jnp.float32)
    return {"ci": ci, "cjs": cjs, "ti": ti, "tjs": tjs, "Cs": Cs, "A": A, "w": w}


def reference(ci, cjs, ti, tjs, Cs, A, w):
    M, C, _ = A.shape
    B, L = cjs.shape
    # ---- intensity: phi_{c_i, c_j}(t_i - t_j) summed over history ----
    dts = ti - tjs                                                  # (B, L)
    gt = w[None, None, :] * jnp.exp(-w[None, None, :] * dts[:, :, None])  # (B, L, M)
    rows = A[:, ci[:, 0], :]                                        # (M, B, C)  = basis[m](ci)
    idx = jnp.broadcast_to(cjs[None, :, :], (M, B, L))
    vals = jnp.take_along_axis(rows, idx, axis=2)                   # (M, B, L)  = gather(1, history)
    phi_c = jnp.einsum('mbl,blm->b', vals, gt).reshape(B, 1)        # (B, 1)
    # ---- expected counts: int_{t_last}^{t_i} sum_j phi_{c, c_j}(s - t_j) ds for all c ----
    t_last = tjs[:, -1:]
    t_start = t_last - tjs                                          # (B, L)
    Gt = jnp.exp(-w[None, None, :] * t_start[:, :, None]) - jnp.exp(-w[None, None, :] * dts[:, :, None])  # (B, L, M)
    b_idx = jnp.broadcast_to(jnp.arange(B)[:, None], (B, L))
    pHi = jnp.zeros((B, C), dtype=A.dtype)
    for m in range(M):
        A_m = A[m][Cs[:, 0], :]                                     # (C, C) = basis[m](Cs).squeeze(1)
        # scatter kernel integrals by history type, then contract with a_{c c' m}
        W = jnp.zeros((B, C), dtype=A.dtype).at[b_idx, cjs].add(Gt[:, :, m])  # (B, C)
        pHi = pHi + W @ A_m.T                                       # (B, C)
    return phi_c, pHi

if __name__ == "__main__":
    import jax
    _d = setup_inputs()
    print(jax.jit(kernel)(*tuple(_d.values())))

</pallas_src>

<mosaic_0001>
#map = affine_map<(d0, d1) -> (0, 0)>
#map1 = affine_map<(d0, d1) -> (0)>
module attributes {stable_mosaic.version = 14 : i64} {
  func.func @sc_kernel(%arg0: i32, %arg1: i32, %arg2: memref<64x3200xf32, #tpu.memory_space<hbm>>, %arg3: memref<64x3200xi32, #tpu.memory_space<hbm>>, %arg4: memref<64x16xf32, #tpu.memory_space<hbm>>, %arg5: memref<64x16xi32, #tpu.memory_space<hbm>>, %arg6: memref<3000x1000xf32, #tpu.memory_space<hbm>>, %arg7: memref<1024xf32, #tpu.memory_space<hbm>>, %arg8: memref<3072000xf32, #tpu.memory_space<hbm>>, %arg9: memref<2x3200xf32, #tpu.memory_space<vmem>>, %arg10: memref<2x3200xi32, #tpu.memory_space<vmem>>, %arg11: memref<2x16xf32, #tpu.memory_space<vmem>>, %arg12: memref<2x16xi32, #tpu.memory_space<vmem>>, %arg13: memref<48xi32, #tpu.memory_space<vmem>>, %arg14: memref<48x1000xf32, #tpu.memory_space<vmem>>, %arg15: memref<48000xf32, #tpu.memory_space<vmem>>, %arg16: memref<32xf32, #tpu.memory_space<vmem>>, %arg17: memref<!tpu.dma_semaphore, #tpu.memory_space<semaphore_mem>>, %arg18: memref<!tpu.dma_semaphore, #tpu.memory_space<semaphore_mem>>, %arg19: memref<!tpu.dma_semaphore, #tpu.memory_space<semaphore_mem>>) attributes {dimension_semantics = [#tpu.dimension_semantics<core_parallel>, #tpu.dimension_semantics<subcore_parallel>], iteration_bounds = array<i64: 2, 16>, scalar_prefetch = 0 : i64, scratch_operands = 11 : i64, tpu.core_type = #tpu.core_type<sc_vector_subcore>, window_params = [{transform_indices = #map}, {transform_indices = #map}, {transform_indices = #map}, {transform_indices = #map}, {transform_indices = #map}, {transform_indices = #map1}, {transform_indices = #map1}]} {
    %mul3A = arith.constant 2 : i32
    %mul3A_0 = arith.muli %arg1, %mul3A : i32
    %add3A = arith.addi %mul3A_0, %arg0 : i32
    %iota3A = tpu.iota {dimensions = array<i32: 0>} : vector<16xi32>
    %mul3A_1 = arith.constant 3000 : i32
    %mul3A_2 = vector.broadcast %mul3A_1 : i32 to vector<16xi32>
    %mul3A_3 = arith.muli %iota3A, %mul3A_2 : vector<16xi32>
    %broadcast_in_dim3A = arith.constant 0.000000e+00 : f32
    %broadcast_in_dim3A_4 = vector.broadcast %broadcast_in_dim3A : f32 to vector<16xf32>
    %mul3A_5 = arith.constant 2 : i32
    %mul3A_6 = arith.muli %add3A, %mul3A_5 : i32
    %add3A_7 = arith.constant 0 : i32
    %add3A_8 = arith.addi %mul3A_6, %add3A_7 : i32
    %dma_start3A = arith.constant 0 : i32
    %dma_start3A_9 = arith.constant 0 : i32
    %dma_start3A_10 = tpu.memref_slice %arg9[%dma_start3A, %dma_start3A_9] : memref<2x3200xf32, #tpu.memory_space<vmem>> -> memref<1x3200xf32, #tpu.memory_space<vmem>>
    %dma_start3A_11 = tpu.memref_squeeze %dma_start3A_10 : memref<1x3200xf32, #tpu.memory_space<vmem>> -> memref<3200xf32, #tpu.memory_space<vmem>>
    %dma_start3A_12 = arith.constant 0 : i32
    %dma_start3A_13 = tpu.memref_slice %arg2[%add3A_8, %dma_start3A_12] : memref<64x3200xf32, #tpu.memory_space<hbm>> -> memref<1x3200xf32, #tpu.memory_space<hbm>>
    %dma_start3A_14 = tpu.memref_squeeze %dma_start3A_13 : memref<1x3200xf32, #tpu.memory_space<hbm>> -> memref<3200xf32, #tpu.memory_space<hbm>>
    %dma_start3A_15 = arith.constant 0 : i32
    %dma_start3A_16 = tpu.memref_slice %arg9[%dma_start3A, %dma_start3A_15] : memref<2x3200xf32, #tpu.memory_space<vmem>> -> memref<1x3200xf32, #tpu.memory_space<vmem>>
    %dma_start3A_17 = tpu.memref_squeeze %dma_start3A_16 : memref<1x3200xf32, #tpu.memory_space<vmem>> -> memref<3200xf32, #tpu.memory_space<vmem>>
    %dma_start3A_18 = arith.constant 0 : i32
    %dma_start3A_19 = tpu.memref_slice %arg2[%add3A_8, %dma_start3A_18] : memref<64x3200xf32, #tpu.memory_space<hbm>> -> memref<1x3200xf32, #tpu.memory_space<hbm>>
    %dma_start3A_20 = tpu.memref_squeeze %dma_start3A_19 : memref<1x3200xf32, #tpu.memory_space<hbm>> -> memref<3200xf32, #tpu.memory_space<hbm>>
    tpu.enqueue_dma source(%dma_start3A_20 : memref<3200xf32, #tpu.memory_space<hbm>>) target(%dma_start3A_17 : memref<3200xf32, #tpu.memory_space<vmem>>) target_semaphore(%arg17 : memref<!tpu.dma_semaphore, #tpu.memory_space<semaphore_mem>>)
    %dma_start3A_21 = arith.constant 0 : i32
    %dma_start3A_22 = arith.constant 0 : i32
    %dma_start3A_23 = tpu.memref_slice %arg10[%dma_start3A_21, %dma_start3A_22] : memref<2x3200xi32, #tpu.memory_space<vmem>> -> memref<1x3200xi32, #tpu.memory_space<vmem>>
    %dma_start3A_24 = tpu.memref_squeeze %dma_start3A_23 : memref<1x3200xi32, #tpu.memory_space<vmem>> -> memref<3200xi32, #tpu.memory_space<vmem>>
    %dma_start3A_25 = arith.constant 0 : i32
    %dma_start3A_26 = tpu.memref_slice %arg3[%add3A_8, %dma_start3A_25] : memref<64x3200xi32, #tpu.memory_space<hbm>> -> memref<1x3200xi32, #tpu.memory_space<hbm>>
    %dma_start3A_27 = tpu.memref_squeeze %dma_start3A_26 : memref<1x3200xi32, #tpu.memory_space<hbm>> -> memref<3200xi32, #tpu.memory_space<hbm>>
    %dma_start3A_28 = arith.constant 0 : i32
    %dma_start3A_29 = tpu.memref_slice %arg10[%dma_start3A_21, %dma_start3A_28] : memref<2x3200xi32, #tpu.memory_space<vmem>> -> memref<1x3200xi32, #tpu.memory_space<vmem>>
    %dma_start3A_30 = tpu.memref_squeeze %dma_start3A_29 : memref<1x3200xi32, #tpu.memory_space<vmem>> -> memref<3200xi32, #tpu.memory_space<vmem>>
    %dma_start3A_31 = arith.constant 0 : i32
    %dma_start3A_32 = tpu.memref_slice %arg3[%add3A_8, %dma_start3A_31] : memref<64x3200xi32, #tpu.memory_space<hbm>> -> memref<1x3200xi32, #tpu.memory_space<hbm>>
    %dma_start3A_33 = tpu.memref_squeeze %dma_start3A_32 : memref<1x3200xi32, #tpu.memory_space<hbm>> -> memref<3200xi32, #tpu.memory_space<hbm>>
    tpu.enqueue_dma source(%dma_start3A_33 : memref<3200xi32, #tpu.memory_space<hbm>>) target(%dma_start3A_30 : memref<3200xi32, #tpu.memory_space<vmem>>) target_semaphore(%arg17 : memref<!tpu.dma_semaphore, #tpu.memory_space<semaphore_mem>>)
    %dma_start3A_34 = arith.constant 0 : i32
    %dma_start3A_35 = arith.constant 0 : i32
    %dma_start3A_36 = tpu.memref_slice %arg11[%dma_start3A_34, %dma_start3A_35] : memref<2x16xf32, #tpu.memory_space<vmem>> -> memref<1x16xf32, #tpu.memory_space<vmem>>
    %dma_start3A_37 = tpu.memref_squeeze %dma_start3A_36 : memref<1x16xf32, #tpu.memory_space<vmem>> -> memref<16xf32, #tpu.memory_space<vmem>>
    %dma_start3A_38 = arith.constant 0 : i32
    %dma_start3A_39 = tpu.memref_slice %arg4[%add3A_8, %dma_start3A_38] : memref<64x16xf32, #tpu.memory_space<hbm>> -> memref<1x16xf32, #tpu.memory_space<hbm>>
    %dma_start3A_40 = tpu.memref_squeeze %dma_start3A_39 : memref<1x16xf32, #tpu.memory_space<hbm>> -> memref<16xf32, #tpu.memory_space<hbm>>
    %dma_start3A_41 = arith.constant 0 : i32
    %dma_start3A_42 = tpu.memref_slice %arg11[%dma_start3A_34, %dma_start3A_41] : memref<2x16xf32, #tpu.memory_space<vmem>> -> memref<1x16xf32, #tpu.memory_space<vmem>>
    %dma_start3A_43 = tpu.memref_squeeze %dma_start3A_42 : memref<1x16xf32, #tpu.memory_space<vmem>> -> memref<16xf32, #tpu.memory_space<vmem>>
    %dma_start3A_44 = arith.constant 0 : i32
    %dma_start3A_45 = tpu.memref_slice %arg4[%add3A_8, %dma_start3A_44] : memref<64x16xf32, #tpu.memory_space<hbm>> -> memref<1x16xf32, #tpu.memory_space<hbm>>
    %dma_start3A_46 = tpu.memref_squeeze %dma_start3A_45 : memref<1x16xf32, #tpu.memory_space<hbm>> -> memref<16xf32, #tpu.memory_space<hbm>>
    tpu.enqueue_dma source(%dma_start3A_46 : memref<16xf32, #tpu.memory_space<hbm>>) target(%dma_start3A_43 : memref<16xf32, #tpu.memory_space<vmem>>) target_semaphore(%arg17 : memref<!tpu.dma_semaphore, #tpu.memory_space<semaphore_mem>>)
    %dma_start3A_47 = arith.constant 0 : i32
    %dma_start3A_48 = arith.constant 0 : i32
    %dma_start3A_49 = tpu.memref_slice %arg12[%dma_start3A_47, %dma_start3A_48] : memref<2x16xi32, #tpu.memory_space<vmem>> -> memref<1x16xi32, #tpu.memory_space<vmem>>
    %dma_start3A_50 = tpu.memref_squeeze %dma_start3A_49 : memref<1x16xi32, #tpu.memory_space<vmem>> -> memref<16xi32, #tpu.memory_space<vmem>>
    %dma_start3A_51 = arith.constant 0 : i32
    %dma_start3A_52 = tpu.memref_slice %arg5[%add3A_8, %dma_start3A_51] : memref<64x16xi32, #tpu.memory_space<hbm>> -> memref<1x16xi32, #tpu.memory_space<hbm>>
    %dma_start3A_53 = tpu.memref_squeeze %dma_start3A_52 : memref<1x16xi32, #tpu.memory_space<hbm>> -> memref<16xi32, #tpu.memory_space<hbm>>
    %dma_start3A_54 = arith.constant 0 : i32
    %dma_start3A_55 = tpu.memref_slice %arg12[%dma_start3A_47, %dma_start3A_54] : memref<2x16xi32, #tpu.memory_space<vmem>> -> memref<1x16xi32, #tpu.memory_space<vmem>>
    %dma_start3A_56 = tpu.memref_squeeze %dma_start3A_55 : memref<1x16xi32, #tpu.memory_space<vmem>> -> memref<16xi32, #tpu.memory_space<vmem>>
    %dma_start3A_57 = arith.constant 0 : i32
    %dma_start3A_58 = tpu.memref_slice %arg5[%add3A_8, %dma_start3A_57] : memref<64x16xi32, #tpu.memory_space<hbm>> -> memref<1x16xi32, #tpu.memory_space<hbm>>
    %dma_start3A_59 = tpu.memref_squeeze %dma_start3A_58 : memref<1x16xi32, #tpu.memory_space<hbm>> -> memref<16xi32, #tpu.memory_space<hbm>>
    tpu.enqueue_dma source(%dma_start3A_59 : memref<16xi32, #tpu.memory_space<hbm>>) target(%dma_start3A_56 : memref<16xi32, #tpu.memory_space<vmem>>) target_semaphore(%arg17 : memref<!tpu.dma_semaphore, #tpu.memory_space<semaphore_mem>>)
    %add3A_60 = arith.constant 1 : i32
    %add3A_61 = arith.addi %mul3A_6, %add3A_60 : i32
    %dma_start3A_62 = arith.constant 1 : i32
    %dma_start3A_63 = arith.constant 0 : i32
    %dma_start3A_64 = tpu.memref_slice %arg9[%dma_start3A_62, %dma_start3A_63] : memref<2x3200xf32, #tpu.memory_space<vmem>> -> memref<1x3200xf32, #tpu.memory_space<vmem>>
    %dma_start3A_65 = tpu.memref_squeeze %dma_start3A_64 : memref<1x3200xf32, #tpu.memory_space<vmem>> -> memref<3200xf32, #tpu.memory_space<vmem>>
    %dma_start3A_66 = arith.constant 0 : i32
    %dma_start3A_67 = tpu.memref_slice %arg2[%add3A_61, %dma_start3A_66] : memref<64x3200xf32, #tpu.memory_space<hbm>> -> memref<1x3200xf32, #tpu.memory_space<hbm>>
    %dma_start3A_68 = tpu.memref_squeeze %dma_start3A_67 : memref<1x3200xf32, #tpu.memory_space<hbm>> -> memref<3200xf32, #tpu.memory_space<hbm>>
    %dma_start3A_69 = arith.constant 0 : i32
    %dma_start3A_70 = tpu.memref_slice %arg9[%dma_start3A_62, %dma_start3A_69] : memref<2x3200xf32, #tpu.memory_space<vmem>> -> memref<1x3200xf32, #tpu.memory_space<vmem>>
    %dma_start3A_71 = tpu.memref_squeeze %dma_start3A_70 : memref<1x3200xf32, #tpu.memory_space<vmem>> -> memref<3200xf32, #tpu.memory_space<vmem>>
    %dma_start3A_72 = arith.constant 0 : i32
    %dma_start3A_73 = tpu.memref_slice %arg2[%add3A_61, %dma_start3A_72] : memref<64x3200xf32, #tpu.memory_space<hbm>> -> memref<1x3200xf32, #tpu.memory_space<hbm>>
    %dma_start3A_74 = tpu.memref_squeeze %dma_start3A_73 : memref<1x3200xf32, #tpu.memory_space<hbm>> -> memref<3200xf32, #tpu.memory_space<hbm>>
    tpu.enqueue_dma source(%dma_start3A_74 : memref<3200xf32, #tpu.memory_space<hbm>>) target(%dma_start3A_71 : memref<3200xf32, #tpu.memory_space<vmem>>) target_semaphore(%arg17 : memref<!tpu.dma_semaphore, #tpu.memory_space<semaphore_mem>>)
    %dma_start3A_75 = arith.constant 1 : i32
    %dma_start3A_76 = arith.constant 0 : i32
    %dma_start3A_77 = tpu.memref_slice %arg10[%dma_start3A_75, %dma_start3A_76] : memref<2x3200xi32, #tpu.memory_space<vmem>> -> memref<1x3200xi32, #tpu.memory_space<vmem>>
    %dma_start3A_78 = tpu.memref_squeeze %dma_start3A_77 : memref<1x3200xi32, #tpu.memory_space<vmem>> -> memref<3200xi32, #tpu.memory_space<vmem>>
    %dma_start3A_79 = arith.constant 0 : i32
    %dma_start3A_80 = tpu.memref_slice %arg3[%add3A_61, %dma_start3A_79] : memref<64x3200xi32, #tpu.memory_space<hbm>> -> memref<1x3200xi32, #tpu.memory_space<hbm>>
    %dma_start3A_81 = tpu.memref_squeeze %dma_start3A_80 : memref<1x3200xi32, #tpu.memory_space<hbm>> -> memref<3200xi32, #tpu.memory_space<hbm>>
    %dma_start3A_82 = arith.constant 0 : i32
    %dma_start3A_83 = tpu.memref_slice %arg10[%dma_start3A_75, %dma_start3A_82] : memref<2x3200xi32, #tpu.memory_space<vmem>> -> memref<1x3200xi32, #tpu.memory_space<vmem>>
    %dma_start3A_84 = tpu.memref_squeeze %dma_start3A_83 : memref<1x3200xi32, #tpu.memory_space<vmem>> -> memref<3200xi32, #tpu.memory_space<vmem>>
    %dma_start3A_85 = arith.constant 0 : i32
    %dma_start3A_86 = tpu.memref_slice %arg3[%add3A_61, %dma_start3A_85] : memref<64x3200xi32, #tpu.memory_space<hbm>> -> memref<1x3200xi32, #tpu.memory_space<hbm>>
    %dma_start3A_87 = tpu.memref_squeeze %dma_start3A_86 : memref<1x3200xi32, #tpu.memory_space<hbm>> -> memref<3200xi32, #tpu.memory_space<hbm>>
    tpu.enqueue_dma source(%dma_start3A_87 : memref<3200xi32, #tpu.memory_space<hbm>>) target(%dma_start3A_84 : memref<3200xi32, #tpu.memory_space<vmem>>) target_semaphore(%arg17 : memref<!tpu.dma_semaphore, #tpu.memory_space<semaphore_mem>>)
    %dma_start3A_88 = arith.constant 1 : i32
    %dma_start3A_89 = arith.constant 0 : i32
    %dma_start3A_90 = tpu.memref_slice %arg11[%dma_start3A_88, %dma_start3A_89] : memref<2x16xf32, #tpu.memory_space<vmem>> -> memref<1x16xf32, #tpu.memory_space<vmem>>
    %dma_start3A_91 = tpu.memref_squeeze %dma_start3A_90 : memref<1x16xf32, #tpu.memory_space<vmem>> -> memref<16xf32, #tpu.memory_space<vmem>>
    %dma_start3A_92 = arith.constant 0 : i32
    %dma_start3A_93 = tpu.memref_slice %arg4[%add3A_61, %dma_start3A_92] : memref<64x16xf32, #tpu.memory_space<hbm>> -> memref<1x16xf32, #tpu.memory_space<hbm>>
    %dma_start3A_94 = tpu.memref_squeeze %dma_start3A_93 : memref<1x16xf32, #tpu.memory_space<hbm>> -> memref<16xf32, #tpu.memory_space<hbm>>
    %dma_start3A_95 = arith.constant 0 : i32
    %dma_start3A_96 = tpu.memref_slice %arg11[%dma_start3A_88, %dma_start3A_95] : memref<2x16xf32, #tpu.memory_space<vmem>> -> memref<1x16xf32, #tpu.memory_space<vmem>>
    %dma_start3A_97 = tpu.memref_squeeze %dma_start3A_96 : memref<1x16xf32, #tpu.memory_space<vmem>> -> memref<16xf32, #tpu.memory_space<vmem>>
    %dma_start3A_98 = arith.constant 0 : i32
    %dma_start3A_99 = tpu.memref_slice %arg4[%add3A_61, %dma_start3A_98] : memref<64x16xf32, #tpu.memory_space<hbm>> -> memref<1x16xf32, #tpu.memory_space<hbm>>
    %dma_start3A_100 = tpu.memref_squeeze %dma_start3A_99 : memref<1x16xf32, #tpu.memory_space<hbm>> -> memref<16xf32, #tpu.memory_space<hbm>>
    tpu.enqueue_dma source(%dma_start3A_100 : memref<16xf32, #tpu.memory_space<hbm>>) target(%dma_start3A_97 : memref<16xf32, #tpu.memory_space<vmem>>) target_semaphore(%arg17 : memref<!tpu.dma_semaphore, #tpu.memory_space<semaphore_mem>>)
    %dma_start3A_101 = arith.constant 1 : i32
    %dma_start3A_102 = arith.constant 0 : i32
    %dma_start3A_103 = tpu.memref_slice %arg12[%dma_start3A_101, %dma_start3A_102] : memref<2x16xi32, #tpu.memory_space<vmem>> -> memref<1x16xi32, #tpu.memory_space<vmem>>
    %dma_start3A_104 = tpu.memref_squeeze %dma_start3A_103 : memref<1x16xi32, #tpu.memory_space<vmem>> -> memref<16xi32, #tpu.memory_space<vmem>>
    %dma_start3A_105 = arith.constant 0 : i32
    %dma_start3A_106 = tpu.memref_slice %arg5[%add3A_61, %dma_start3A_105] : memref<64x16xi32, #tpu.memory_space<hbm>> -> memref<1x16xi32, #tpu.memory_space<hbm>>
    %dma_start3A_107 = tpu.memref_squeeze %dma_start3A_106 : memref<1x16xi32, #tpu.memory_space<hbm>> -> memref<16xi32, #tpu.memory_space<hbm>>
    %dma_start3A_108 = arith.constant 0 : i32
    %dma_start3A_109 = tpu.memref_slice %arg12[%dma_start3A_101, %dma_start3A_108] : memref<2x16xi32, #tpu.memory_space<vmem>> -> memref<1x16xi32, #tpu.memory_space<vmem>>
    %dma_start3A_110 = tpu.memref_squeeze %dma_start3A_109 : memref<1x16xi32, #tpu.memory_space<vmem>> -> memref<16xi32, #tpu.memory_space<vmem>>
    %dma_start3A_111 = arith.constant 0 : i32
    %dma_start3A_112 = tpu.memref_slice %arg5[%add3A_61, %dma_start3A_111] : memref<64x16xi32, #tpu.memory_space<hbm>> -> memref<1x16xi32, #tpu.memory_space<hbm>>
    %dma_start3A_113 = tpu.memref_squeeze %dma_start3A_112 : memref<1x16xi32, #tpu.memory_space<hbm>> -> memref<16xi32, #tpu.memory_space<hbm>>
    tpu.enqueue_dma source(%dma_start3A_113 : memref<16xi32, #tpu.memory_space<hbm>>) target(%dma_start3A_110 : memref<16xi32, #tpu.memory_space<vmem>>) target_semaphore(%arg17 : memref<!tpu.dma_semaphore, #tpu.memory_space<semaphore_mem>>)
    %dma_wait3A = arith.constant 0 : i32
    %dma_wait3A_114 = arith.constant 0 : i32
    %dma_wait3A_115 = tpu.memref_slice %arg9[%dma_wait3A, %dma_wait3A_114] : memref<2x3200xf32, #tpu.memory_space<vmem>> -> memref<1x3200xf32, #tpu.memory_space<vmem>>
    %dma_wait3A_116 = tpu.memref_squeeze %dma_wait3A_115 : memref<1x3200xf32, #tpu.memory_space<vmem>> -> memref<3200xf32, #tpu.memory_space<vmem>>
    %dma_wait3A_117 = arith.constant 0 : i32
    %dma_wait3A_118 = tpu.memref_slice %arg2[%add3A_8, %dma_wait3A_117] : memref<64x3200xf32, #tpu.memory_space<hbm>> -> memref<1x3200xf32, #tpu.memory_space<hbm>>
    %dma_wait3A_119 = tpu.memref_squeeze %dma_wait3A_118 : memref<1x3200xf32, #tpu.memory_space<hbm>> -> memref<3200xf32, #tpu.memory_space<hbm>>
    %dma_wait3A_120 = arith.constant 0 : i32
    %dma_wait3A_121 = tpu.memref_slice %arg9[%dma_wait3A, %dma_wait3A_120] : memref<2x3200xf32, #tpu.memory_space<vmem>> -> memref<1x3200xf32, #tpu.memory_space<vmem>>
    %dma_wait3A_122 = tpu.memref_squeeze %dma_wait3A_121 : memref<1x3200xf32, #tpu.memory_space<vmem>> -> memref<3200xf32, #tpu.memory_space<vmem>>
    %dma_wait3A_123 = arith.constant 0 : i32
    %dma_wait3A_124 = tpu.memref_slice %arg2[%add3A_8, %dma_wait3A_123] : memref<64x3200xf32, #tpu.memory_space<hbm>> -> memref<1x3200xf32, #tpu.memory_space<hbm>>
    %dma_wait3A_125 = tpu.memref_squeeze %dma_wait3A_124 : memref<1x3200xf32, #tpu.memory_space<hbm>> -> memref<3200xf32, #tpu.memory_space<hbm>>
    tpu.wait_dma2 semaphore(%arg17 : memref<!tpu.dma_semaphore, #tpu.memory_space<semaphore_mem>>) src(%dma_wait3A_125 : memref<3200xf32, #tpu.memory_space<hbm>>) dst(%dma_wait3A_122 : memref<3200xf32, #tpu.memory_space<vmem>>)
    %dma_wait3A_126 = arith.constant 0 : i32
    %dma_wait3A_127 = arith.constant 0 : i32
    %dma_wait3A_128 = tpu.memref_slice %arg10[%dma_wait3A_126, %dma_wait3A_127] : memref<2x3200xi32, #tpu.memory_space<vmem>> -> memref<1x3200xi32, #tpu.memory_space<vmem>>
    %dma_wait3A_129 = tpu.memref_squeeze %dma_wait3A_128 : memref<1x3200xi32, #tpu.memory_space<vmem>> -> memref<3200xi32, #tpu.memory_space<vmem>>
    %dma_wait3A_130 = arith.constant 0 : i32
    %dma_wait3A_131 = tpu.memref_slice %arg3[%add3A_8, %dma_wait3A_130] : memref<64x3200xi32, #tpu.memory_space<hbm>> -> memref<1x3200xi32, #tpu.memory_space<hbm>>
    %dma_wait3A_132 = tpu.memref_squeeze %dma_wait3A_131 : memref<1x3200xi32, #tpu.memory_space<hbm>> -> memref<3200xi32, #tpu.memory_space<hbm>>
    %dma_wait3A_133 = arith.constant 0 : i32
    %dma_wait3A_134 = tpu.memref_slice %arg10[%dma_wait3A_126, %dma_wait3A_133] : memref<2x3200xi32, #tpu.memory_space<vmem>> -> memref<1x3200xi32, #tpu.memory_space<vmem>>
    %dma_wait3A_135 = tpu.memref_squeeze %dma_wait3A_134 : memref<1x3200xi32, #tpu.memory_space<vmem>> -> memref<3200xi32, #tpu.memory_space<vmem>>
    %dma_wait3A_136 = arith.constant 0 : i32
    %dma_wait3A_137 = tpu.memref_slice %arg3[%add3A_8, %dma_wait3A_136] : memref<64x3200xi32, #tpu.memory_space<hbm>> -> memref<1x3200xi32, #tpu.memory_space<hbm>>
    %dma_wait3A_138 = tpu.memref_squeeze %dma_wait3A_137 : memref<1x3200xi32, #tpu.memory_space<hbm>> -> memref<3200xi32, #tpu.memory_space<hbm>>
    tpu.wait_dma2 semaphore(%arg17 : memref<!tpu.dma_semaphore, #tpu.memory_space<semaphore_mem>>) src(%dma_wait3A_138 : memref<3200xi32, #tpu.memory_space<hbm>>) dst(%dma_wait3A_135 : memref<3200xi32, #tpu.memory_space<vmem>>)
    %dma_wait3A_139 = arith.constant 0 : i32
    %dma_wait3A_140 = arith.constant 0 : i32
    %dma_wait3A_141 = tpu.memref_slice %arg11[%dma_wait3A_139, %dma_wait3A_140] : memref<2x16xf32, #tpu.memory_space<vmem>> -> memref<1x16xf32, #tpu.memory_space<vmem>>
    %dma_wait3A_142 = tpu.memref_squeeze %dma_wait3A_141 : memref<1x16xf32, #tpu.memory_space<vmem>> -> memref<16xf32, #tpu.memory_space<vmem>>
    %dma_wait3A_143 = arith.constant 0 : i32
    %dma_wait3A_144 = tpu.memref_slice %arg4[%add3A_8, %dma_wait3A_143] : memref<64x16xf32, #tpu.memory_space<hbm>> -> memref<1x16xf32, #tpu.memory_space<hbm>>
    %dma_wait3A_145 = tpu.memref_squeeze %dma_wait3A_144 : memref<1x16xf32, #tpu.memory_space<hbm>> -> memref<16xf32, #tpu.memory_space<hbm>>
    %dma_wait3A_146 = arith.constant 0 : i32
    %dma_wait3A_147 = tpu.memref_slice %arg11[%dma_wait3A_139, %dma_wait3A_146] : memref<2x16xf32, #tpu.memory_space<vmem>> -> memref<1x16xf32, #tpu.memory_space<vmem>>
    %dma_wait3A_148 = tpu.memref_squeeze %dma_wait3A_147 : memref<1x16xf32, #tpu.memory_space<vmem>> -> memref<16xf32, #tpu.memory_space<vmem>>
    %dma_wait3A_149 = arith.constant 0 : i32
    %dma_wait3A_150 = tpu.memref_slice %arg4[%add3A_8, %dma_wait3A_149] : memref<64x16xf32, #tpu.memory_space<hbm>> -> memref<1x16xf32, #tpu.memory_space<hbm>>
    %dma_wait3A_151 = tpu.memref_squeeze %dma_wait3A_150 : memref<1x16xf32, #tpu.memory_space<hbm>> -> memref<16xf32, #tpu.memory_space<hbm>>
    tpu.wait_dma2 semaphore(%arg17 : memref<!tpu.dma_semaphore, #tpu.memory_space<semaphore_mem>>) src(%dma_wait3A_151 : memref<16xf32, #tpu.memory_space<hbm>>) dst(%dma_wait3A_148 : memref<16xf32, #tpu.memory_space<vmem>>)
    %dma_wait3A_152 = arith.constant 0 : i32
    %dma_wait3A_153 = arith.constant 0 : i32
    %dma_wait3A_154 = tpu.memref_slice %arg12[%dma_wait3A_152, %dma_wait3A_153] : memref<2x16xi32, #tpu.memory_space<vmem>> -> memref<1x16xi32, #tpu.memory_space<vmem>>
    %dma_wait3A_155 = tpu.memref_squeeze %dma_wait3A_154 : memref<1x16xi32, #tpu.memory_space<vmem>> -> memref<16xi32, #tpu.memory_space<vmem>>
    %dma_wait3A_156 = arith.constant 0 : i32
    %dma_wait3A_157 = tpu.memref_slice %arg5[%add3A_8, %dma_wait3A_156] : memref<64x16xi32, #tpu.memory_space<hbm>> -> memref<1x16xi32, #tpu.memory_space<hbm>>
    %dma_wait3A_158 = tpu.memref_squeeze %dma_wait3A_157 : memref<1x16xi32, #tpu.memory_space<hbm>> -> memref<16xi32, #tpu.memory_space<hbm>>
    %dma_wait3A_159 = arith.constant 0 : i32
    %dma_wait3A_160 = tpu.memref_slice %arg12[%dma_wait3A_152, %dma_wait3A_159] : memref<2x16xi32, #tpu.memory_space<vmem>> -> memref<1x16xi32, #tpu.memory_space<vmem>>
    %dma_wait3A_161 = tpu.memref_squeeze %dma_wait3A_160 : memref<1x16xi32, #tpu.memory_space<vmem>> -> memref<16xi32, #tpu.memory_space<vmem>>
    %dma_wait3A_162 = arith.constant 0 : i32
    %dma_wait3A_163 = tpu.memref_slice %arg5[%add3A_8, %dma_wait3A_162] : memref<64x16xi32, #tpu.memory_space<hbm>> -> memref<1x16xi32, #tpu.memory_space<hbm>>
    %dma_wait3A_164 = tpu.memref_squeeze %dma_wait3A_163 : memref<1x16xi32, #tpu.memory_space<hbm>> -> memref<16xi32, #tpu.memory_space<hbm>>
    tpu.wait_dma2 semaphore(%arg17 : memref<!tpu.dma_semaphore, #tpu.memory_space<semaphore_mem>>) src(%dma_wait3A_164 : memref<16xi32, #tpu.memory_space<hbm>>) dst(%dma_wait3A_161 : memref<16xi32, #tpu.memory_space<vmem>>)
    %get3A = arith.constant 0 : i32
    %get3A_165 = arith.index_cast %get3A : i32 to index
    %get3A_166 = arith.constant 0 : index
    %get3A_167 = tpu.vector_load %arg12[%get3A_165, %get3A_166] {strides = array<i32>} : memref<2x16xi32, #tpu.memory_space<vmem>>, vector<16xi32>,
    %add3A_168 = arith.constant 0 : i32
    %add3A_169 = vector.broadcast %add3A_168 : i32 to vector<16xi32>
    %add3A_170 = arith.addi %get3A_167, %add3A_169 : vector<16xi32>
    %swap3A = arith.constant 0 : index
    %swap3A_171 = tpu.vector_load %arg13[%swap3A] {strides = array<i32>} : memref<48xi32, #tpu.memory_space<vmem>>, vector<16xi32>,
    tpu.vector_store %arg13[%swap3A], %add3A_170 {strides = array<i32>} : memref<48xi32, #tpu.memory_space<vmem>>, vector<16xi32>,
    %add3A_172 = arith.constant 1000 : i32
    %add3A_173 = vector.broadcast %add3A_172 : i32 to vector<16xi32>
    %add3A_174 = arith.addi %get3A_167, %add3A_173 : vector<16xi32>
    %swap3A_175 = arith.constant 16 : index
    %swap3A_176 = tpu.vector_load %arg13[%swap3A_175] {strides = array<i32>} : memref<48xi32, #tpu.memory_space<vmem>>, vector<16xi32>,
    tpu.vector_store %arg13[%swap3A_175], %add3A_174 {strides = array<i32>} : memref<48xi32, #tpu.memory_space<vmem>>, vector<16xi32>,
    %add3A_177 = arith.constant 2000 : i32
    %add3A_178 = vector.broadcast %add3A_177 : i32 to vector<16xi32>
    %add3A_179 = arith.addi %get3A_167, %add3A_178 : vector<16xi32>
    %swap3A_180 = arith.constant 32 : index
    %swap3A_181 = tpu.vector_load %arg13[%swap3A_180] {strides = array<i32>} : memref<48xi32, #tpu.memory_space<vmem>>, vector<16xi32>,
    tpu.vector_store %arg13[%swap3A_180], %add3A_179 {strides = array<i32>} : memref<48xi32, #tpu.memory_space<vmem>>, vector<16xi32>,
    %dma_start3A_182 = arith.constant 0 : i32
    %dma_start3A_183 = arith.constant 0 : i32
    %dma_start3A_184 = tpu.memref_slice %arg6[%dma_start3A_182, %dma_start3A_183] : memref<3000x1000xf32, #tpu.memory_space<hbm>> -> memref<3000x1000xf32, #tpu.memory_space<hbm>>
    tpu.enqueue_indirect_dma source(%dma_start3A_184 : memref<3000x1000xf32, #tpu.memory_space<hbm>>) target(%arg14 : memref<48x1000xf32, #tpu.memory_space<vmem>>) offsets(%arg13 : memref<48xi32, #tpu.memory_space<vmem>>) semaphore(%arg18 : memref<!tpu.dma_semaphore, #tpu.memory_space<semaphore_mem>>)
    %scan3A = arith.constant 0 : i32
    %scan3A_185 = arith.constant 0 : i32
    %scan3A_186 = arith.constant 125 : i32
    %scan3A_187 = arith.addi %scan3A_185, %scan3A_186 : i32
    %scan3A_188 = arith.constant 1 : i32
    %scan3A_189 = scf.for %scan3A_348 = %scan3A_185 to %scan3A_187 step %scan3A_188 iter_args(%scan3A_349 = %scan3A) -> (i32)  : i32 {
      %mul3A_350 = arith.constant 384 : i32
      %mul3A_351 = arith.muli %scan3A_348, %mul3A_350 : i32
      %add3A_352 = arith.constant 0 : i32
      %add3A_353 = arith.addi %mul3A_351, %add3A_352 : i32
      %swap3A_354 = arith.index_cast %add3A_353 : i32 to index
      %swap3A_355 = tpu.vector_load %arg15[%swap3A_354] {strides = array<i32>} : memref<48000xf32, #tpu.memory_space<vmem>>, vector<16xf32>,
      tpu.vector_store %arg15[%swap3A_354], %broadcast_in_dim3A_4 {strides = array<i32>} : memref<48000xf32, #tpu.memory_space<vmem>>, vector<16xf32>,
      %add3A_356 = arith.constant 16 : i32
      %add3A_357 = arith.addi %mul3A_351, %add3A_356 : i32
      %swap3A_358 = arith.index_cast %add3A_357 : i32 to index
      %swap3A_359 = tpu.vector_load %arg15[%swap3A_358] {strides = array<i32>} : memref<48000xf32, #tpu.memory_space<vmem>>, vector<16xf32>,
      tpu.vector_store %arg15[%swap3A_358], %broadcast_in_dim3A_4 {strides = array<i32>} : memref<48000xf32, #tpu.memory_space<vmem>>, vector<16xf32>,
      %add3A_360 = arith.constant 32 : i32
      %add3A_361 = arith.addi %mul3A_351, %add3A_360 : i32
      %swap3A_362 = arith.index_cast %add3A_361 : i32 to index
      %swap3A_363 = tpu.vector_load %arg15[%swap3A_362] {strides = array<i32>} : memref<48000xf32, #tpu.memory_space<vmem>>, vector<16xf32>,
      tpu.vector_store %arg15[%swap3A_362], %broadcast_in_dim3A_4 {strides = array<i32>} : memref<48000xf32, #tpu.memory_space<vmem>>, vector<16xf32>,
      %add3A_364 = arith.constant 48 : i32
      %add3A_365 = arith.addi %mul3A_351, %add3A_364 : i32
      %swap3A_366 = arith.index_cast %add3A_365 : i32 to index
      %swap3A_367 = tpu.vector_load %arg15[%swap3A_366] {strides = array<i32>} : memref<48000xf32, #tpu.memory_space<vmem>>, vector<16xf32>,
      tpu.vector_store %arg15[%swap3A_366], %broadcast_in_dim3A_4 {strides = array<i32>} : memref<48000xf32, #tpu.memory_space<vmem>>, vector<16xf32>,
      %add3A_368 = arith.constant 64 : i32
      %add3A_369 = arith.addi %mul3A_351, %add3A_368 : i32
      %swap3A_370 = arith.index_cast %add3A_369 : i32 to index
      %swap3A_371 = tpu.vector_load %arg15[%swap3A_370] {strides = array<i32>} : memref<48000xf32, #tpu.memory_space<vmem>>, vector<16xf32>,
      tpu.vector_store %arg15[%swap3A_370], %broadcast_in_dim3A_4 {strides = array<i32>} : memref<48000xf32, #tpu.memory_space<vmem>>, vector<16xf32>,
      %add3A_372 = arith.constant 80 : i32
      %add3A_373 = arith.addi %mul3A_351, %add3A_372 : i32
      %swap3A_374 = arith.index_cast %add3A_373 : i32 to index
      %swap3A_375 = tpu.vector_load %arg15[%swap3A_374] {strides = array<i32>} : memref<48000xf32, #tpu.memory_space<vmem>>, vector<16xf32>,
      tpu.vector_store %arg15[%swap3A_374], %broadcast_in_dim3A_4 {strides = array<i32>} : memref<48000xf32, #tpu.memory_space<vmem>>, vector<16xf32>,
      %add3A_376 = arith.constant 96 : i32
      %add3A_377 = arith.addi %mul3A_351, %add3A_376 : i32
      %swap3A_378 = arith.index_cast %add3A_377 : i32 to index
      %swap3A_379 = tpu.vector_load %arg15[%swap3A_378] {strides = array<i32>} : memref<48000xf32, #tpu.memory_space<vmem>>, vector<16xf32>,
      tpu.vector_store %arg15[%swap3A_378], %broadcast_in_dim3A_4 {strides = array<i32>} : memref<48000xf32, #tpu.memory_space<vmem>>, vector<16xf32>,
      %add3A_380 = arith.constant 112 : i32
      %add3A_381 = arith.addi %mul3A_351, %add3A_380 : i32
      %swap3A_382 = arith.index_cast %add3A_381 : i32 to index
      %swap3A_383 = tpu.vector_load %arg15[%swap3A_382] {strides = array<i32>} : memref<48000xf32, #tpu.memory_space<vmem>>, vector<16xf32>,
      tpu.vector_store %arg15[%swap3A_382], %broadcast_in_dim3A_4 {strides = array<i32>} : memref<48000xf32, #tpu.memory_space<vmem>>, vector<16xf32>,
      %add3A_384 = arith.constant 128 : i32
      %add3A_385 = arith.addi %mul3A_351, %add3A_384 : i32
      %swap3A_386 = arith.index_cast %add3A_385 : i32 to index
      %swap3A_387 = tpu.vector_load %arg15[%swap3A_386] {strides = array<i32>} : memref<48000xf32, #tpu.memory_space<vmem>>, vector<16xf32>,
      tpu.vector_store %arg15[%swap3A_386], %broadcast_in_dim3A_4 {strides = array<i32>} : memref<48000xf32, #tpu.memory_space<vmem>>, vector<16xf32>,
      %add3A_388 = arith.constant 144 : i32
      %add3A_389 = arith.addi %mul3A_351, %add3A_388 : i32
      %swap3A_390 = arith.index_cast %add3A_389 : i32 to index
      %swap3A_391 = tpu.vector_load %arg15[%swap3A_390] {strides = array<i32>} : memref<48000xf32, #tpu.memory_space<vmem>>, vector<16xf32>,
      tpu.vector_store %arg15[%swap3A_390], %broadcast_in_dim3A_4 {strides = array<i32>} : memref<48000xf32, #tpu.memory_space<vmem>>, vector<16xf32>,
      %add3A_392 = arith.constant 160 : i32
      %add3A_393 = arith.addi %mul3A_351, %add3A_392 : i32
      %swap3A_394 = arith.index_cast %add3A_393 : i32 to index
      %swap3A_395 = tpu.vector_load %arg15[%swap3A_394] {strides = array<i32>} : memref<48000xf32, #tpu.memory_space<vmem>>, vector<16xf32>,
      tpu.vector_store %arg15[%swap3A_394], %broadcast_in_dim3A_4 {strides = array<i32>} : memref<48000xf32, #tpu.memory_space<vmem>>, vector<16xf32>,
      %add3A_396 = arith.constant 176 : i32
      %add3A_397 = arith.addi %mul3A_351, %add3A_396 : i32
      %swap3A_398 = arith.index_cast %add3A_397 : i32 to index
      %swap3A_399 = tpu.vector_load %arg15[%swap3A_398] {strides = array<i32>} : memref<48000xf32, #tpu.memory_space<vmem>>, vector<16xf32>,
      tpu.vector_store %arg15[%swap3A_398], %broadcast_in_dim3A_4 {strides = array<i32>} : memref<48000xf32, #tpu.memory_space<vmem>>, vector<16xf32>,
      %add3A_400 = arith.constant 192 : i32
      %add3A_401 = arith.addi %mul3A_351, %add3A_400 : i32
      %swap3A_402 = arith.index_cast %add3A_401 : i32 to index
      %swap3A_403 = tpu.vector_load %arg15[%swap3A_402] {strides = array<i32>} : memref<48000xf32, #tpu.memory_space<vmem>>, vector<16xf32>,
      tpu.vector_store %arg15[%swap3A_402], %broadcast_in_dim3A_4 {strides = array<i32>} : memref<48000xf32, #tpu.memory_space<vmem>>, vector<16xf32>,
      %add3A_404 = arith.constant 208 : i32
      %add3A_405 = arith.addi %mul3A_351, %add3A_404 : i32
      %swap3A_406 = arith.index_cast %add3A_405 : i32 to index
      %swap3A_407 = tpu.vector_load %arg15[%swap3A_406] {strides = array<i32>} : memref<48000xf32, #tpu.memory_space<vmem>>, vector<16xf32>,
      tpu.vector_store %arg15[%swap3A_406], %broadcast_in_dim3A_4 {strides = array<i32>} : memref<48000xf32, #tpu.memory_space<vmem>>, vector<16xf32>,
      %add3A_408 = arith.constant 224 : i32
      %add3A_409 = arith.addi %mul3A_351, %add3A_408 : i32
      %swap3A_410 = arith.index_cast %add3A_409 : i32 to index
      %swap3A_411 = tpu.vector_load %arg15[%swap3A_410] {strides = array<i32>} : memref<48000xf32, #tpu.memory_space<vmem>>, vector<16xf32>,
      tpu.vector_store %arg15[%swap3A_410], %broadcast_in_dim3A_4 {strides = array<i32>} : memref<48000xf32, #tpu.memory_space<vmem>>, vector<16xf32>,
      %add3A_412 = arith.constant 240 : i32
      %add3A_413 = arith.addi %mul3A_351, %add3A_412 : i32
      %swap3A_414 = arith.index_cast %add3A_413 : i32 to index
      %swap3A_415 = tpu.vector_load %arg15[%swap3A_414] {strides = array<i32>} : memref<48000xf32, #tpu.memory_space<vmem>>, vector<16xf32>,
      tpu.vector_store %arg15[%swap3A_414], %broadcast_in_dim3A_4 {strides = array<i32>} : memref<48000xf32, #tpu.memory_space<vmem>>, vector<16xf32>,
      %add3A_416 = arith.constant 256 : i32
      %add3A_417 = arith.addi %mul3A_351, %add3A_416 : i32
      %swap3A_418 = arith.index_cast %add3A_417 : i32 to index
      %swap3A_419 = tpu.vector_load %arg15[%swap3A_418] {strides = array<i32>} : memref<48000xf32, #tpu.memory_space<vmem>>, vector<16xf32>,
      tpu.vector_store %arg15[%swap3A_418], %broadcast_in_dim3A_4 {strides = array<i32>} : memref<48000xf32, #tpu.memory_space<vmem>>, vector<16xf32>,
      %add3A_420 = arith.constant 272 : i32
      %add3A_421 = arith.addi %mul3A_351, %add3A_420 : i32
      %swap3A_422 = arith.index_cast %add3A_421 : i32 to index
      %swap3A_423 = tpu.vector_load %arg15[%swap3A_422] {strides = array<i32>} : memref<48000xf32, #tpu.memory_space<vmem>>, vector<16xf32>,
      tpu.vector_store %arg15[%swap3A_422], %broadcast_in_dim3A_4 {strides = array<i32>} : memref<48000xf32, #tpu.memory_space<vmem>>, vector<16xf32>,
      %add3A_424 = arith.constant 288 : i32
      %add3A_425 = arith.addi %mul3A_351, %add3A_424 : i32
      %swap3A_426 = arith.index_cast %add3A_425 : i32 to index
      %swap3A_427 = tpu.vector_load %arg15[%swap3A_426] {strides = array<i32>} : memref<48000xf32, #tpu.memory_space<vmem>>, vector<16xf32>,
      tpu.vector_store %arg15[%swap3A_426], %broadcast_in_dim3A_4 {strides = array<i32>} : memref<48000xf32, #tpu.memory_space<vmem>>, vector<16xf32>,
      %add3A_428 = arith.constant 304 : i32
      %add3A_429 = arith.addi %mul3A_351, %add3A_428 : i32
      %swap3A_430 = arith.index_cast %add3A_429 : i32 to index
      %swap3A_431 = tpu.vector_load %arg15[%swap3A_430] {strides = array<i32>} : memref<48000xf32, #tpu.memory_space<vmem>>, vector<16xf32>,
      tpu.vector_store %arg15[%swap3A_430], %broadcast_in_dim3A_4 {strides = array<i32>} : memref<48000xf32, #tpu.memory_space<vmem>>, vector<16xf32>,
      %add3A_432 = arith.constant 320 : i32
      %add3A_433 = arith.addi %mul3A_351, %add3A_432 : i32
      %swap3A_434 = arith.index_cast %add3A_433 : i32 to index
      %swap3A_435 = tpu.vector_load %arg15[%swap3A_434] {strides = array<i32>} : memref<48000xf32, #tpu.memory_space<vmem>>, vector<16xf32>,
      tpu.vector_store %arg15[%swap3A_434], %broadcast_in_dim3A_4 {strides = array<i32>} : memref<48000xf32, #tpu.memory_space<vmem>>, vector<16xf32>,
      %add3A_436 = arith.constant 336 : i32
      %add3A_437 = arith.addi %mul3A_351, %add3A_436 : i32
      %swap3A_438 = arith.index_cast %add3A_437 : i32 to index
      %swap3A_439 = tpu.vector_load %arg15[%swap3A_438] {strides = array<i32>} : memref<48000xf32, #tpu.memory_space<vmem>>, vector<16xf32>,
      tpu.vector_store %arg15[%swap3A_438], %broadcast_in_dim3A_4 {strides = array<i32>} : memref<48000xf32, #tpu.memory_space<vmem>>, vector<16xf32>,
      %add3A_440 = arith.constant 352 : i32
      %add3A_441 = arith.addi %mul3A_351, %add3A_440 : i32
      %swap3A_442 = arith.index_cast %add3A_441 : i32 to index
      %swap3A_443 = tpu.vector_load %arg15[%swap3A_442] {strides = array<i32>} : memref<48000xf32, #tpu.memory_space<vmem>>, vector<16xf32>,
      tpu.vector_store %arg15[%swap3A_442], %broadcast_in_dim3A_4 {strides = array<i32>} : memref<48000xf32, #tpu.memory_space<vmem>>, vector<16xf32>,
      %add3A_444 = arith.constant 368 : i32
      %add3A_445 = arith.addi %mul3A_351, %add3A_444 : i32
      %swap3A_446 = arith.index_cast %add3A_445 : i32 to index
      %swap3A_447 = tpu.vector_load %arg15[%swap3A_446] {strides = array<i32>} : memref<48000xf32, #tpu.memory_space<vmem>>, vector<16xf32>,
      tpu.vector_store %arg15[%swap3A_446], %broadcast_in_dim3A_4 {strides = array<i32>} : memref<48000xf32, #tpu.memory_space<vmem>>, vector<16xf32>,
      %scan3A_448 = arith.constant 0 : i32
      scf.yield %scan3A_448 : i32
    }
    %scan3A_190 = arith.constant 125 : i32
    %dma_wait3A_191 = arith.constant 0 : i32
    %dma_wait3A_192 = arith.constant 0 : i32
    %dma_wait3A_193 = tpu.memref_slice %arg6[%dma_wait3A_191, %dma_wait3A_192] : memref<3000x1000xf32, #tpu.memory_space<hbm>> -> memref<3000x1000xf32, #tpu.memory_space<hbm>>
    tpu.wait_indirect_dma semaphore(%arg18 : memref<!tpu.dma_semaphore, #tpu.memory_space<semaphore_mem>>) src(%dma_wait3A_193 : memref<3000x1000xf32, #tpu.memory_space<hbm>>) dst(%arg14 : memref<48x1000xf32, #tpu.memory_space<vmem>>)
    %get3A_194 = arith.constant 0 : i32
    %get3A_195 = arith.index_cast %get3A_194 : i32 to index
    %get3A_196 = arith.constant 0 : index
    %get3A_197 = tpu.vector_load %arg11[%get3A_195, %get3A_196] {strides = array<i32>} : memref<2x16xf32, #tpu.memory_space<vmem>>, vector<16xf32>,
    %get3A_198 = arith.constant 0 : i32
    %get3A_199 = arith.index_cast %get3A_198 : i32 to index
    %get3A_200 = arith.constant 3184 : index
    %get3A_201 = tpu.vector_load %arg9[%get3A_199, %get3A_200] {strides = array<i32>} : memref<2x3200xf32, #tpu.memory_space<vmem>>, vector<16xf32>,
    %sub3A = arith.subf %get3A_197, %get3A_201 : vector<16xf32>
    %mul3A_202 = arith.constant -5.000000e-01 : f32
    %mul3A_203 = vector.broadcast %mul3A_202 : f32 to vector<16xf32>
    %mul3A_204 = arith.mulf %sub3A, %mul3A_203 : vector<16xf32>
    %exp3A = math.exp %mul3A_204 : vector<16xf32>
    %mul3A_205 = arith.mulf %exp3A, %exp3A : vector<16xf32>
    %mul3A_206 = arith.mulf %mul3A_205, %mul3A_205 : vector<16xf32>
    %scan3A_207 = arith.constant 0 : i32
    %scan3A_208 = arith.constant 50 : i32
    %scan3A_209 = arith.addi %scan3A_207, %scan3A_208 : i32
    %scan3A_210 = arith.constant 1 : i32
    %scan3A_211 = scf.for %scan3A_348 = %scan3A_207 to %scan3A_209 step %scan3A_210 iter_args(%scan3A_349 = %broadcast_in_dim3A_4) -> (vector<16xf32>)  : i32 {
      %mul3A_350 = arith.constant 4 : i32
      %mul3A_351 = arith.muli %mul3A_350, %scan3A_348 : i32
      %add3A_352 = arith.constant 0 : i32
      %add3A_353 = arith.addi %mul3A_351, %add3A_352 : i32
      %mul3A_354 = arith.constant 16 : i32
      %mul3A_355 = arith.muli %add3A_353, %mul3A_354 : i32
      %get3A_356 = arith.constant 0 : i32
      %get3A_357 = arith.index_cast %get3A_356 : i32 to index
      %get3A_358 = arith.index_cast %mul3A_355 : i32 to index
      %get3A_359 = tpu.vector_load %arg9[%get3A_357, %get3A_358] {strides = array<i32>} : memref<2x3200xf32, #tpu.memory_space<vmem>>, vector<16xf32>,
      %get3A_360 = arith.constant 0 : i32
      %get3A_361 = arith.index_cast %get3A_360 : i32 to index
      %get3A_362 = arith.index_cast %mul3A_355 : i32 to index
      %get3A_363 = tpu.vector_load %arg10[%get3A_361, %get3A_362] {strides = array<i32>} : memref<2x3200xi32, #tpu.memory_space<vmem>>, vector<16xi32>,
      %sub3A_364 = arith.subf %get3A_201, %get3A_359 : vector<16xf32>
      %mul3A_365 = arith.constant -5.000000e-01 : f32
      %mul3A_366 = vector.broadcast %mul3A_365 : f32 to vector<16xf32>
      %mul3A_367 = arith.mulf %sub3A_364, %mul3A_366 : vector<16xf32>
      %exp3A_368 = math.exp %mul3A_367 : vector<16xf32>
      %mul3A_369 = arith.mulf %exp3A_368, %exp3A_368 : vector<16xf32>
      %mul3A_370 = arith.mulf %mul3A_369, %mul3A_369 : vector<16xf32>
      %mul3A_371 = arith.mulf %exp3A_368, %exp3A : vector<16xf32>
      %mul3A_372 = arith.mulf %mul3A_369, %mul3A_205 : vector<16xf32>
      %mul3A_373 = arith.mulf %mul3A_370, %mul3A_206 : vector<16xf32>
      %add3A_374 = arith.constant 0 : i32
      %add3A_375 = vector.broadcast %add3A_374 : i32 to vector<16xi32>
      %add3A_376 = arith.addi %iota3A, %add3A_375 : vector<16xi32>
      %gather3A = tpu.vector_load_idx %arg14[%add3A_376, %get3A_363] : memref<48x1000xf32, #tpu.memory_space<vmem>>[vector<16xi32>, vector<16xi32>], vector<16xf32>,
      %mul3A_377 = arith.constant 5.000000e-01 : f32
      %mul3A_378 = vector.broadcast %mul3A_377 : f32 to vector<16xf32>
      %mul3A_379 = arith.mulf %mul3A_371, %mul3A_378 : vector<16xf32>
      %mul3A_380 = arith.mulf %gather3A, %mul3A_379 : vector<16xf32>
      %add3A_381 = arith.addf %scan3A_349, %mul3A_380 : vector<16xf32>
      %add3A_382 = arith.constant 0 : i32
      %add3A_383 = vector.broadcast %add3A_382 : i32 to vector<16xi32>
      %add3A_384 = arith.addi %mul3A_3, %add3A_383 : vector<16xi32>
      %add3A_385 = arith.addi %get3A_363, %add3A_384 : vector<16xi32>
      %sub3A_386 = arith.subf %exp3A_368, %mul3A_371 : vector<16xf32>
      tpu.vector_store_idx %arg15[%add3A_385], %sub3A_386 {add = true} : memref<48000xf32, #tpu.memory_space<vmem>>[vector<16xi32>], vector<16xf32>,
      %add3A_387 = arith.constant 16 : i32
      %add3A_388 = vector.broadcast %add3A_387 : i32 to vector<16xi32>
      %add3A_389 = arith.addi %iota3A, %add3A_388 : vector<16xi32>
      %gather3A_390 = tpu.vector_load_idx %arg14[%add3A_389, %get3A_363] : memref<48x1000xf32, #tpu.memory_space<vmem>>[vector<16xi32>, vector<16xi32>], vector<16xf32>,
      %mul3A_391 = arith.constant 1.000000e+00 : f32
      %mul3A_392 = vector.broadcast %mul3A_391 : f32 to vector<16xf32>
      %mul3A_393 = arith.mulf %mul3A_372, %mul3A_392 : vector<16xf32>
      %mul3A_394 = arith.mulf %gather3A_390, %mul3A_393 : vector<16xf32>
      %add3A_395 = arith.addf %add3A_381, %mul3A_394 : vector<16xf32>
      %add3A_396 = arith.constant 1000 : i32
      %add3A_397 = vector.broadcast %add3A_396 : i32 to vector<16xi32>
      %add3A_398 = arith.addi %mul3A_3, %add3A_397 : vector<16xi32>
      %add3A_399 = arith.addi %get3A_363, %add3A_398 : vector<16xi32>
      %sub3A_400 = arith.subf %mul3A_369, %mul3A_372 : vector<16xf32>
      tpu.vector_store_idx %arg15[%add3A_399], %sub3A_400 {add = true} : memref<48000xf32, #tpu.memory_space<vmem>>[vector<16xi32>], vector<16xf32>,
      %add3A_401 = arith.constant 32 : i32
      %add3A_402 = vector.broadcast %add3A_401 : i32 to vector<16xi32>
      %add3A_403 = arith.addi %iota3A, %add3A_402 : vector<16xi32>
      %gather3A_404 = tpu.vector_load_idx %arg14[%add3A_403, %get3A_363] : memref<48x1000xf32, #tpu.memory_space<vmem>>[vector<16xi32>, vector<16xi32>], vector<16xf32>,
      %mul3A_405 = arith.constant 2.000000e+00 : f32
      %mul3A_406 = vector.broadcast %mul3A_405 : f32 to vector<16xf32>
      %mul3A_407 = arith.mulf %mul3A_373, %mul3A_406 : vector<16xf32>
      %mul3A_408 = arith.mulf %gather3A_404, %mul3A_407 : vector<16xf32>
      %add3A_409 = arith.addf %add3A_395, %mul3A_408 : vector<16xf32>
      %add3A_410 = arith.constant 2000 : i32
      %add3A_411 = vector.broadcast %add3A_410 : i32 to vector<16xi32>
      %add3A_412 = arith.addi %mul3A_3, %add3A_411 : vector<16xi32>
      %add3A_413 = arith.addi %get3A_363, %add3A_412 : vector<16xi32>
      %sub3A_414 = arith.subf %mul3A_370, %mul3A_373 : vector<16xf32>
      tpu.vector_store_idx %arg15[%add3A_413], %sub3A_414 {add = true} : memref<48000xf32, #tpu.memory_space<vmem>>[vector<16xi32>], vector<16xf32>,
      %mul3A_415 = arith.constant 4 : i32
      %mul3A_416 = arith.muli %mul3A_415, %scan3A_348 : i32
      %add3A_417 = arith.constant 1 : i32
      %add3A_418 = arith.addi %mul3A_416, %add3A_417 : i32
      %mul3A_419 = arith.constant 16 : i32
      %mul3A_420 = arith.muli %add3A_418, %mul3A_419 : i32
      %get3A_421 = arith.constant 0 : i32
      %get3A_422 = arith.index_cast %get3A_421 : i32 to index
      %get3A_423 = arith.index_cast %mul3A_420 : i32 to index
      %get3A_424 = tpu.vector_load %arg9[%get3A_422, %get3A_423] {strides = array<i32>} : memref<2x3200xf32, #tpu.memory_space<vmem>>, vector<16xf32>,
      %get3A_425 = arith.constant 0 : i32
      %get3A_426 = arith.index_cast %get3A_425 : i32 to index
      %get3A_427 = arith.index_cast %mul3A_420 : i32 to index
      %get3A_428 = tpu.vector_load %arg10[%get3A_426, %get3A_427] {strides = array<i32>} : memref<2x3200xi32, #tpu.memory_space<vmem>>, vector<16xi32>,
      %sub3A_429 = arith.subf %get3A_201, %get3A_424 : vector<16xf32>
      %mul3A_430 = arith.constant -5.000000e-01 : f32
      %mul3A_431 = vector.broadcast %mul3A_430 : f32 to vector<16xf32>
      %mul3A_432 = arith.mulf %sub3A_429, %mul3A_431 : vector<16xf32>
      %exp3A_433 = math.exp %mul3A_432 : vector<16xf32>
      %mul3A_434 = arith.mulf %exp3A_433, %exp3A_433 : vector<16xf32>
      %mul3A_435 = arith.mulf %mul3A_434, %mul3A_434 : vector<16xf32>
      %mul3A_436 = arith.mulf %exp3A_433, %exp3A : vector<16xf32>
      %mul3A_437 = arith.mulf %mul3A_434, %mul3A_205 : vector<16xf32>
      %mul3A_438 = arith.mulf %mul3A_435, %mul3A_206 : vector<16xf32>
      %add3A_439 = arith.constant 0 : i32
      %add3A_440 = vector.broadcast %add3A_439 : i32 to vector<16xi32>
      %add3A_441 = arith.addi %iota3A, %add3A_440 : vector<16xi32>
      %gather3A_442 = tpu.vector_load_idx %arg14[%add3A_441, %get3A_428] : memref<48x1000xf32, #tpu.memory_space<vmem>>[vector<16xi32>, vector<16xi32>], vector<16xf32>,
      %mul3A_443 = arith.constant 5.000000e-01 : f32
      %mul3A_444 = vector.broadcast %mul3A_443 : f32 to vector<16xf32>
      %mul3A_445 = arith.mulf %mul3A_436, %mul3A_444 : vector<16xf32>
      %mul3A_446 = arith.mulf %gather3A_442, %mul3A_445 : vector<16xf32>
      %add3A_447 = arith.addf %add3A_409, %mul3A_446 : vector<16xf32>
      %add3A_448 = arith.constant 0 : i32
      %add3A_449 = vector.broadcast %add3A_448 : i32 to vector<16xi32>
      %add3A_450 = arith.addi %mul3A_3, %add3A_449 : vector<16xi32>
      %add3A_451 = arith.addi %get3A_428, %add3A_450 : vector<16xi32>
      %sub3A_452 = arith.subf %exp3A_433, %mul3A_436 : vector<16xf32>
      tpu.vector_store_idx %arg15[%add3A_451], %sub3A_452 {add = true} : memref<48000xf32, #tpu.memory_space<vmem>>[vector<16xi32>], vector<16xf32>,
      %add3A_453 = arith.constant 16 : i32
      %add3A_454 = vector.broadcast %add3A_453 : i32 to vector<16xi32>
      %add3A_455 = arith.addi %iota3A, %add3A_454 : vector<16xi32>
      %gather3A_456 = tpu.vector_load_idx %arg14[%add3A_455, %get3A_428] : memref<48x1000xf32, #tpu.memory_space<vmem>>[vector<16xi32>, vector<16xi32>], vector<16xf32>,
      %mul3A_457 = arith.constant 1.000000e+00 : f32
      %mul3A_458 = vector.broadcast %mul3A_457 : f32 to vector<16xf32>
      %mul3A_459 = arith.mulf %mul3A_437, %mul3A_458 : vector<16xf32>
      %mul3A_460 = arith.mulf %gather3A_456, %mul3A_459 : vector<16xf32>
      %add3A_461 = arith.addf %add3A_447, %mul3A_460 : vector<16xf32>
      %add3A_462 = arith.constant 1000 : i32
      %add3A_463 = vector.broadcast %add3A_462 : i32 to vector<16xi32>
      %add3A_464 = arith.addi %mul3A_3, %add3A_463 : vector<16xi32>
      %add3A_465 = arith.addi %get3A_428, %add3A_464 : vector<16xi32>
      %sub3A_466 = arith.subf %mul3A_434, %mul3A_437 : vector<16xf32>
      tpu.vector_store_idx %arg15[%add3A_465], %sub3A_466 {add = true} : memref<48000xf32, #tpu.memory_space<vmem>>[vector<16xi32>], vector<16xf32>,
      %add3A_467 = arith.constant 32 : i32
      %add3A_468 = vector.broadcast %add3A_467 : i32 to vector<16xi32>
      %add3A_469 = arith.addi %iota3A, %add3A_468 : vector<16xi32>
      %gather3A_470 = tpu.vector_load_idx %arg14[%add3A_469, %get3A_428] : memref<48x1000xf32, #tpu.memory_space<vmem>>[vector<16xi32>, vector<16xi32>], vector<16xf32>,
      %mul3A_471 = arith.constant 2.000000e+00 : f32
      %mul3A_472 = vector.broadcast %mul3A_471 : f32 to vector<16xf32>
      %mul3A_473 = arith.mulf %mul3A_438, %mul3A_472 : vector<16xf32>
      %mul3A_474 = arith.mulf %gather3A_470, %mul3A_473 : vector<16xf32>
      %add3A_475 = arith.addf %add3A_461, %mul3A_474 : vector<16xf32>
      %add3A_476 = arith.constant 2000 : i32
      %add3A_477 = vector.broadcast %add3A_476 : i32 to vector<16xi32>
      %add3A_478 = arith.addi %mul3A_3, %add3A_477 : vector<16xi32>
      %add3A_479 = arith.addi %get3A_428, %add3A_478 : vector<16xi32>
      %sub3A_480 = arith.subf %mul3A_435, %mul3A_438 : vector<16xf32>
      tpu.vector_store_idx %arg15[%add3A_479], %sub3A_480 {add = true} : memref<48000xf32, #tpu.memory_space<vmem>>[vector<16xi32>], vector<16xf32>,
      %mul3A_481 = arith.constant 4 : i32
      %mul3A_482 = arith.muli %mul3A_481, %scan3A_348 : i32
      %add3A_483 = arith.constant 2 : i32
      %add3A_484 = arith.addi %mul3A_482, %add3A_483 : i32
      %mul3A_485 = arith.constant 16 : i32
      %mul3A_486 = arith.muli %add3A_484, %mul3A_485 : i32
      %get3A_487 = arith.constant 0 : i32
      %get3A_488 = arith.index_cast %get3A_487 : i32 to index
      %get3A_489 = arith.index_cast %mul3A_486 : i32 to index
      %get3A_490 = tpu.vector_load %arg9[%get3A_488, %get3A_489] {strides = array<i32>} : memref<2x3200xf32, #tpu.memory_space<vmem>>, vector<16xf32>,
      %get3A_491 = arith.constant 0 : i32
      %get3A_492 = arith.index_cast %get3A_491 : i32 to index
      %get3A_493 = arith.index_cast %mul3A_486 : i32 to index
      %get3A_494 = tpu.vector_load %arg10[%get3A_492, %get3A_493] {strides = array<i32>} : memref<2x3200xi32, #tpu.memory_space<vmem>>, vector<16xi32>,
      %sub3A_495 = arith.subf %get3A_201, %get3A_490 : vector<16xf32>
      %mul3A_496 = arith.constant -5.000000e-01 : f32
      %mul3A_497 = vector.broadcast %mul3A_496 : f32 to vector<16xf32>
      %mul3A_498 = arith.mulf %sub3A_495, %mul3A_497 : vector<16xf32>
      %exp3A_499 = math.exp %mul3A_498 : vector<16xf32>
      %mul3A_500 = arith.mulf %exp3A_499, %exp3A_499 : vector<16xf32>
      %mul3A_501 = arith.mulf %mul3A_500, %mul3A_500 : vector<16xf32>
      %mul3A_502 = arith.mulf %exp3A_499, %exp3A : vector<16xf32>
      %mul3A_503 = arith.mulf %mul3A_500, %mul3A_205 : vector<16xf32>
      %mul3A_504 = arith.mulf %mul3A_501, %mul3A_206 : vector<16xf32>
      %add3A_505 = arith.constant 0 : i32
      %add3A_506 = vector.broadcast %add3A_505 : i32 to vector<16xi32>
      %add3A_507 = arith.addi %iota3A, %add3A_506 : vector<16xi32>
      %gather3A_508 = tpu.vector_load_idx %arg14[%add3A_507, %get3A_494] : memref<48x1000xf32, #tpu.memory_space<vmem>>[vector<16xi32>, vector<16xi32>], vector<16xf32>,
      %mul3A_509 = arith.constant 5.000000e-01 : f32
      %mul3A_510 = vector.broadcast %mul3A_509 : f32 to vector<16xf32>
      %mul3A_511 = arith.mulf %mul3A_502, %mul3A_510 : vector<16xf32>
      %mul3A_512 = arith.mulf %gather3A_508, %mul3A_511 : vector<16xf32>
      %add3A_513 = arith.addf %add3A_475, %mul3A_512 : vector<16xf32>
      %add3A_514 = arith.constant 0 : i32
      %add3A_515 = vector.broadcast %add3A_514 : i32 to vector<16xi32>
      %add3A_516 = arith.addi %mul3A_3, %add3A_515 : vector<16xi32>
      %add3A_517 = arith.addi %get3A_494, %add3A_516 : vector<16xi32>
      %sub3A_518 = arith.subf %exp3A_499, %mul3A_502 : vector<16xf32>
      tpu.vector_store_idx %arg15[%add3A_517], %sub3A_518 {add = true} : memref<48000xf32, #tpu.memory_space<vmem>>[vector<16xi32>], vector<16xf32>,
      %add3A_519 = arith.constant 16 : i32
      %add3A_520 = vector.broadcast %add3A_519 : i32 to vector<16xi32>
      %add3A_521 = arith.addi %iota3A, %add3A_520 : vector<16xi32>
      %gather3A_522 = tpu.vector_load_idx %arg14[%add3A_521, %get3A_494] : memref<48x1000xf32, #tpu.memory_space<vmem>>[vector<16xi32>, vector<16xi32>], vector<16xf32>,
      %mul3A_523 = arith.constant 1.000000e+00 : f32
      %mul3A_524 = vector.broadcast %mul3A_523 : f32 to vector<16xf32>
      %mul3A_525 = arith.mulf %mul3A_503, %mul3A_524 : vector<16xf32>
      %mul3A_526 = arith.mulf %gather3A_522, %mul3A_525 : vector<16xf32>
      %add3A_527 = arith.addf %add3A_513, %mul3A_526 : vector<16xf32>
      %add3A_528 = arith.constant 1000 : i32
      %add3A_529 = vector.broadcast %add3A_528 : i32 to vector<16xi32>
      %add3A_530 = arith.addi %mul3A_3, %add3A_529 : vector<16xi32>
      %add3A_531 = arith.addi %get3A_494, %add3A_530 : vector<16xi32>
      %sub3A_532 = arith.subf %mul3A_500, %mul3A_503 : vector<16xf32>
      tpu.vector_store_idx %arg15[%add3A_531], %sub3A_532 {add = true} : memref<48000xf32, #tpu.memory_space<vmem>>[vector<16xi32>], vector<16xf32>,
      %add3A_533 = arith.constant 32 : i32
      %add3A_534 = vector.broadcast %add3A_533 : i32 to vector<16xi32>
      %add3A_535 = arith.addi %iota3A, %add3A_534 : vector<16xi32>
      %gather3A_536 = tpu.vector_load_idx %arg14[%add3A_535, %get3A_494] : memref<48x1000xf32, #tpu.memory_space<vmem>>[vector<16xi32>, vector<16xi32>], vector<16xf32>,
      %mul3A_537 = arith.constant 2.000000e+00 : f32
      %mul3A_538 = vector.broadcast %mul3A_537 : f32 to vector<16xf32>
      %mul3A_539 = arith.mulf %mul3A_504, %mul3A_538 : vector<16xf32>
      %mul3A_540 = arith.mulf %gather3A_536, %mul3A_539 : vector<16xf32>
      %add3A_541 = arith.addf %add3A_527, %mul3A_540 : vector<16xf32>
      %add3A_542 = arith.constant 2000 : i32
      %add3A_543 = vector.broadcast %add3A_542 : i32 to vector<16xi32>
      %add3A_544 = arith.addi %mul3A_3, %add3A_543 : vector<16xi32>
      %add3A_545 = arith.addi %get3A_494, %add3A_544 : vector<16xi32>
      %sub3A_546 = arith.subf %mul3A_501, %mul3A_504 : vector<16xf32>
      tpu.vector_store_idx %arg15[%add3A_545], %sub3A_546 {add = true} : memref<48000xf32, #tpu.memory_space<vmem>>[vector<16xi32>], vector<16xf32>,
      %mul3A_547 = arith.constant 4 : i32
      %mul3A_548 = arith.muli %mul3A_547, %scan3A_348 : i32
      %add3A_549 = arith.constant 3 : i32
      %add3A_550 = arith.addi %mul3A_548, %add3A_549 : i32
      %mul3A_551 = arith.constant 16 : i32
      %mul3A_552 = arith.muli %add3A_550, %mul3A_551 : i32
      %get3A_553 = arith.constant 0 : i32
      %get3A_554 = arith.index_cast %get3A_553 : i32 to index
      %get3A_555 = arith.index_cast %mul3A_552 : i32 to index
      %get3A_556 = tpu.vector_load %arg9[%get3A_554, %get3A_555] {strides = array<i32>} : memref<2x3200xf32, #tpu.memory_space<vmem>>, vector<16xf32>,
      %get3A_557 = arith.constant 0 : i32
      %get3A_558 = arith.index_cast %get3A_557 : i32 to index
      %get3A_559 = arith.index_cast %mul3A_552 : i32 to index
      %get3A_560 = tpu.vector_load %arg10[%get3A_558, %get3A_559] {strides = array<i32>} : memref<2x3200xi32, #tpu.memory_space<vmem>>, vector<16xi32>,
      %sub3A_561 = arith.subf %get3A_201, %get3A_556 : vector<16xf32>
      %mul3A_562 = arith.constant -5.000000e-01 : f32
      %mul3A_563 = vector.broadcast %mul3A_562 : f32 to vector<16xf32>
      %mul3A_564 = arith.mulf %sub3A_561, %mul3A_563 : vector<16xf32>
      %exp3A_565 = math.exp %mul3A_564 : vector<16xf32>
      %mul3A_566 = arith.mulf %exp3A_565, %exp3A_565 : vector<16xf32>
      %mul3A_567 = arith.mulf %mul3A_566, %mul3A_566 : vector<16xf32>
      %mul3A_568 = arith.mulf %exp3A_565, %exp3A : vector<16xf32>
      %mul3A_569 = arith.mulf %mul3A_566, %mul3A_205 : vector<16xf32>
      %mul3A_570 = arith.mulf %mul3A_567, %mul3A_206 : vector<16xf32>
      %add3A_571 = arith.constant 0 : i32
      %add3A_572 = vector.broadcast %add3A_571 : i32 to vector<16xi32>
      %add3A_573 = arith.addi %iota3A, %add3A_572 : vector<16xi32>
      %gather3A_574 = tpu.vector_load_idx %arg14[%add3A_573, %get3A_560] : memref<48x1000xf32, #tpu.memory_space<vmem>>[vector<16xi32>, vector<16xi32>], vector<16xf32>,
      %mul3A_575 = arith.constant 5.000000e-01 : f32
      %mul3A_576 = vector.broadcast %mul3A_575 : f32 to vector<16xf32>
      %mul3A_577 = arith.mulf %mul3A_568, %mul3A_576 : vector<16xf32>
      %mul3A_578 = arith.mulf %gather3A_574, %mul3A_577 : vector<16xf32>
      %add3A_579 = arith.addf %add3A_541, %mul3A_578 : vector<16xf32>
      %add3A_580 = arith.constant 0 : i32
      %add3A_581 = vector.broadcast %add3A_580 : i32 to vector<16xi32>
      %add3A_582 = arith.addi %mul3A_3, %add3A_581 : vector<16xi32>
      %add3A_583 = arith.addi %get3A_560, %add3A_582 : vector<16xi32>
      %sub3A_584 = arith.subf %exp3A_565, %mul3A_568 : vector<16xf32>
      tpu.vector_store_idx %arg15[%add3A_583], %sub3A_584 {add = true} : memref<48000xf32, #tpu.memory_space<vmem>>[vector<16xi32>], vector<16xf32>,
      %add3A_585 = arith.constant 16 : i32
      %add3A_586 = vector.broadcast %add3A_585 : i32 to vector<16xi32>
      %add3A_587 = arith.addi %iota3A, %add3A_586 : vector<16xi32>
      %gather3A_588 = tpu.vector_load_idx %arg14[%add3A_587, %get3A_560] : memref<48x1000xf32, #tpu.memory_space<vmem>>[vector<16xi32>, vector<16xi32>], vector<16xf32>,
      %mul3A_589 = arith.constant 1.000000e+00 : f32
      %mul3A_590 = vector.broadcast %mul3A_589 : f32 to vector<16xf32>
      %mul3A_591 = arith.mulf %mul3A_569, %mul3A_590 : vector<16xf32>
      %mul3A_592 = arith.mulf %gather3A_588, %mul3A_591 : vector<16xf32>
      %add3A_593 = arith.addf %add3A_579, %mul3A_592 : vector<16xf32>
      %add3A_594 = arith.constant 1000 : i32
      %add3A_595 = vector.broadcast %add3A_594 : i32 to vector<16xi32>
      %add3A_596 = arith.addi %mul3A_3, %add3A_595 : vector<16xi32>
      %add3A_597 = arith.addi %get3A_560, %add3A_596 : vector<16xi32>
      %sub3A_598 = arith.subf %mul3A_566, %mul3A_569 : vector<16xf32>
      tpu.vector_store_idx %arg15[%add3A_597], %sub3A_598 {add = true} : memref<48000xf32, #tpu.memory_space<vmem>>[vector<16xi32>], vector<16xf32>,
      %add3A_599 = arith.constant 32 : i32
      %add3A_600 = vector.broadcast %add3A_599 : i32 to vector<16xi32>
      %add3A_601 = arith.addi %iota3A, %add3A_600 : vector<16xi32>
      %gather3A_602 = tpu.vector_load_idx %arg14[%add3A_601, %get3A_560] : memref<48x1000xf32, #tpu.memory_space<vmem>>[vector<16xi32>, vector<16xi32>], vector<16xf32>,
      %mul3A_603 = arith.constant 2.000000e+00 : f32
      %mul3A_604 = vector.broadcast %mul3A_603 : f32 to vector<16xf32>
      %mul3A_605 = arith.mulf %mul3A_570, %mul3A_604 : vector<16xf32>
      %mul3A_606 = arith.mulf %gather3A_602, %mul3A_605 : vector<16xf32>
      %add3A_607 = arith.addf %add3A_593, %mul3A_606 : vector<16xf32>
      %add3A_608 = arith.constant 2000 : i32
      %add3A_609 = vector.broadcast %add3A_608 : i32 to vector<16xi32>
      %add3A_610 = arith.addi %mul3A_3, %add3A_609 : vector<16xi32>
      %add3A_611 = arith.addi %get3A_560, %add3A_610 : vector<16xi32>
      %sub3A_612 = arith.subf %mul3A_567, %mul3A_570 : vector<16xf32>
      tpu.vector_store_idx %arg15[%add3A_611], %sub3A_612 {add = true} : memref<48000xf32, #tpu.memory_space<vmem>>[vector<16xi32>], vector<16xf32>,
      scf.yield %add3A_607 : vector<16xf32>
    }
    %scan3A_212 = arith.constant 50 : i32
    %swap3A_213 = arith.constant 0 : index
    %swap3A_214 = tpu.vector_load %arg16[%swap3A_213] {strides = array<i32>} : memref<32xf32, #tpu.memory_space<vmem>>, vector<16xf32>,
    tpu.vector_store %arg16[%swap3A_213], %scan3A_211 {strides = array<i32>} : memref<32xf32, #tpu.memory_space<vmem>>, vector<16xf32>,
    %dma_wait3A_215 = arith.constant 1 : i32
    %dma_wait3A_216 = arith.constant 0 : i32
    %dma_wait3A_217 = tpu.memref_slice %arg9[%dma_wait3A_215, %dma_wait3A_216] : memref<2x3200xf32, #tpu.memory_space<vmem>> -> memref<1x3200xf32, #tpu.memory_space<vmem>>
    %dma_wait3A_218 = tpu.memref_squeeze %dma_wait3A_217 : memref<1x3200xf32, #tpu.memory_space<vmem>> -> memref<3200xf32, #tpu.memory_space<vmem>>
    %dma_wait3A_219 = arith.constant 0 : i32
    %dma_wait3A_220 = tpu.memref_slice %arg2[%add3A_61, %dma_wait3A_219] : memref<64x3200xf32, #tpu.memory_space<hbm>> -> memref<1x3200xf32, #tpu.memory_space<hbm>>
    %dma_wait3A_221 = tpu.memref_squeeze %dma_wait3A_220 : memref<1x3200xf32, #tpu.memory_space<hbm>> -> memref<3200xf32, #tpu.memory_space<hbm>>
    %dma_wait3A_222 = arith.constant 0 : i32
    %dma_wait3A_223 = tpu.memref_slice %arg9[%dma_wait3A_215, %dma_wait3A_222] : memref<2x3200xf32, #tpu.memory_space<vmem>> -> memref<1x3200xf32, #tpu.memory_space<vmem>>
    %dma_wait3A_224 = tpu.memref_squeeze %dma_wait3A_223 : memref<1x3200xf32, #tpu.memory_space<vmem>> -> memref<3200xf32, #tpu.memory_space<vmem>>
    %dma_wait3A_225 = arith.constant 0 : i32
    %dma_wait3A_226 = tpu.memref_slice %arg2[%add3A_61, %dma_wait3A_225] : memref<64x3200xf32, #tpu.memory_space<hbm>> -> memref<1x3200xf32, #tpu.memory_space<hbm>>
    %dma_wait3A_227 = tpu.memref_squeeze %dma_wait3A_226 : memref<1x3200xf32, #tpu.memory_space<hbm>> -> memref<3200xf32, #tpu.memory_space<hbm>>
    tpu.wait_dma2 semaphore(%arg17 : memref<!tpu.dma_semaphore, #tpu.memory_space<semaphore_mem>>) src(%dma_wait3A_227 : memref<3200xf32, #tpu.memory_space<hbm>>) dst(%dma_wait3A_224 : memref<3200xf32, #tpu.memory_space<vmem>>)
    %dma_wait3A_228 = arith.constant 1 : i32
    %dma_wait3A_229 = arith.constant 0 : i32
    %dma_wait3A_230 = tpu.memref_slice %arg10[%dma_wait3A_228, %dma_wait3A_229] : memref<2x3200xi32, #tpu.memory_space<vmem>> -> memref<1x3200xi32, #tpu.memory_space<vmem>>
    %dma_wait3A_231 = tpu.memref_squeeze %dma_wait3A_230 : memref<1x3200xi32, #tpu.memory_space<vmem>> -> memref<3200xi32, #tpu.memory_space<vmem>>
    %dma_wait3A_232 = arith.constant 0 : i32
    %dma_wait3A_233 = tpu.memref_slice %arg3[%add3A_61, %dma_wait3A_232] : memref<64x3200xi32, #tpu.memory_space<hbm>> -> memref<1x3200xi32, #tpu.memory_space<hbm>>
    %dma_wait3A_234 = tpu.memref_squeeze %dma_wait3A_233 : memref<1x3200xi32, #tpu.memory_space<hbm>> -> memref<3200xi32, #tpu.memory_space<hbm>>
    %dma_wait3A_235 = arith.constant 0 : i32
    %dma_wait3A_236 = tpu.memref_slice %arg10[%dma_wait3A_228, %dma_wait3A_235] : memref<2x3200xi32, #tpu.memory_space<vmem>> -> memref<1x3200xi32, #tpu.memory_space<vmem>>
    %dma_wait3A_237 = tpu.memref_squeeze %dma_wait3A_236 : memref<1x3200xi32, #tpu.memory_space<vmem>> -> memref<3200xi32, #tpu.memory_space<vmem>>
    %dma_wait3A_238 = arith.constant 0 : i32
    %dma_wait3A_239 = tpu.memref_slice %arg3[%add3A_61, %dma_wait3A_238] : memref<64x3200xi32, #tpu.memory_space<hbm>> -> memref<1x3200xi32, #tpu.memory_space<hbm>>
    %dma_wait3A_240 = tpu.memref_squeeze %dma_wait3A_239 : memref<1x3200xi32, #tpu.memory_space<hbm>> -> memref<3200xi32, #tpu.memory_space<hbm>>
    tpu.wait_dma2 semaphore(%arg17 : memref<!tpu.dma_semaphore, #tpu.memory_space<semaphore_mem>>) src(%dma_wait3A_240 : memref<3200xi32, #tpu.memory_space<hbm>>) dst(%dma_wait3A_237 : memref<3200xi32, #tpu.memory_space<vmem>>)
    %dma_wait3A_241 = arith.constant 1 : i32
    %dma_wait3A_242 = arith.constant 0 : i32
    %dma_wait3A_243 = tpu.memref_slice %arg11[%dma_wait3A_241, %dma_wait3A_242] : memref<2x16xf32, #tpu.memory_space<vmem>> -> memref<1x16xf32, #tpu.memory_space<vmem>>
    %dma_wait3A_244 = tpu.memref_squeeze %dma_wait3A_243 : memref<1x16xf32, #tpu.memory_space<vmem>> -> memref<16xf32, #tpu.memory_space<vmem>>
    %dma_wait3A_245 = arith.constant 0 : i32
    %dma_wait3A_246 = tpu.memref_slice %arg4[%add3A_61, %dma_wait3A_245] : memref<64x16xf32, #tpu.memory_space<hbm>> -> memref<1x16xf32, #tpu.memory_space<hbm>>
    %dma_wait3A_247 = tpu.memref_squeeze %dma_wait3A_246 : memref<1x16xf32, #tpu.memory_space<hbm>> -> memref<16xf32, #tpu.memory_space<hbm>>
    %dma_wait3A_248 = arith.constant 0 : i32
    %dma_wait3A_249 = tpu.memref_slice %arg11[%dma_wait3A_241, %dma_wait3A_248] : memref<2x16xf32, #tpu.memory_space<vmem>> -> memref<1x16xf32, #tpu.memory_space<vmem>>
    %dma_wait3A_250 = tpu.memref_squeeze %dma_wait3A_249 : memref<1x16xf32, #tpu.memory_space<vmem>> -> memref<16xf32, #tpu.memory_space<vmem>>
    %dma_wait3A_251 = arith.constant 0 : i32
    %dma_wait3A_252 = tpu.memref_slice %arg4[%add3A_61, %dma_wait3A_251] : memref<64x16xf32, #tpu.memory_space<hbm>> -> memref<1x16xf32, #tpu.memory_space<hbm>>
    %dma_wait3A_253 = tpu.memref_squeeze %dma_wait3A_252 : memref<1x16xf32, #tpu.memory_space<hbm>> -> memref<16xf32, #tpu.memory_space<hbm>>
    tpu.wait_dma2 semaphore(%arg17 : memref<!tpu.dma_semaphore, #tpu.memory_space<semaphore_mem>>) src(%dma_wait3A_253 : memref<16xf32, #tpu.memory_space<hbm>>) dst(%dma_wait3A_250 : memref<16xf32, #tpu.memory_space<vmem>>)
    %dma_wait3A_254 = arith.constant 1 : i32
    %dma_wait3A_255 = arith.constant 0 : i32
    %dma_wait3A_256 = tpu.memref_slice %arg12[%dma_wait3A_254, %dma_wait3A_255] : memref<2x16xi32, #tpu.memory_space<vmem>> -> memref<1x16xi32, #tpu.memory_space<vmem>>
    %dma_wait3A_257 = tpu.memref_squeeze %dma_wait3A_256 : memref<1x16xi32, #tpu.memory_space<vmem>> -> memref<16xi32, #tpu.memory_space<vmem>>
    %dma_wait3A_258 = arith.constant 0 : i32
    %dma_wait3A_259 = tpu.memref_slice %arg5[%add3A_61, %dma_wait3A_258] : memref<64x16xi32, #tpu.memory_space<hbm>> -> memref<1x16xi32, #tpu.memory_space<hbm>>
    %dma_wait3A_260 = tpu.memref_squeeze %dma_wait3A_259 : memref<1x16xi32, #tpu.memory_space<hbm>> -> memref<16xi32, #tpu.memory_space<hbm>>
    %dma_wait3A_261 = arith.constant 0 : i32
    %dma_wait3A_262 = tpu.memref_slice %arg12[%dma_wait3A_254, %dma_wait3A_261] : memref<2x16xi32, #tpu.memory_space<vmem>> -> memref<1x16xi32, #tpu.memory_space<vmem>>
    %dma_wait3A_263 = tpu.memref_squeeze %dma_wait3A_262 : memref<1x16xi32, #tpu.memory_space<vmem>> -> memref<16xi32, #tpu.memory_space<vmem>>
    %dma_wait3A_264 = arith.constant 0 : i32
    %dma_wait3A_265 = tpu.memref_slice %arg5[%add3A_61, %dma_wait3A_264] : memref<64x16xi32, #tpu.memory_space<hbm>> -> memref<1x16xi32, #tpu.memory_space<hbm>>
    %dma_wait3A_266 = tpu.memref_squeeze %dma_wait3A_265 : memref<1x16xi32, #tpu.memory_space<hbm>> -> memref<16xi32, #tpu.memory_space<hbm>>
    tpu.wait_dma2 semaphore(%arg17 : memref<!tpu.dma_semaphore, #tpu.memory_space<semaphore_mem>>) src(%dma_wait3A_266 : memref<16xi32, #tpu.memory_space<hbm>>) dst(%dma_wait3A_263 : memref<16xi32, #tpu.memory_space<vmem>>)
    %get3A_267 = arith.constant 1 : i32
    %get3A_268 = arith.index_cast %get3A_267 : i32 to index
    %get3A_269 = arith.constant 0 : index
    %get3A_270 = tpu.vector_load %arg12[%get3A_268, %get3A_269] {strides = array<i32>} : memref<2x16xi32, #tpu.memory_space<vmem>>, vector<16xi32>,
    %add3A_271 = arith.constant 0 : i32
    %add3A_272 = vector.broadcast %add3A_271 : i32 to vector<16xi32>
    %add3A_273 = arith.addi %get3A_270, %add3A_272 : vector<16xi32>
    %swap3A_274 = arith.constant 0 : index
    %swap3A_275 = tpu.vector_load %arg13[%swap3A_274] {strides = array<i32>} : memref<48xi32, #tpu.memory_space<vmem>>, vector<16xi32>,
    tpu.vector_store %arg13[%swap3A_274], %add3A_273 {strides = array<i32>} : memref<48xi32, #tpu.memory_space<vmem>>, vector<16xi32>,
    %add3A_276 = arith.constant 1000 : i32
    %add3A_277 = vector.broadcast %add3A_276 : i32 to vector<16xi32>
    %add3A_278 = arith.addi %get3A_270, %add3A_277 : vector<16xi32>
    %swap3A_279 = arith.constant 16 : index
    %swap3A_280 = tpu.vector_load %arg13[%swap3A_279] {strides = array<i32>} : memref<48xi32, #tpu.memory_space<vmem>>, vector<16xi32>,
    tpu.vector_store %arg13[%swap3A_279], %add3A_278 {strides = array<i32>} : memref<48xi32, #tpu.memory_space<vmem>>, vector<16xi32>,
    %add3A_281 = arith.constant 2000 : i32
    %add3A_282 = vector.broadcast %add3A_281 : i32 to vector<16xi32>
    %add3A_283 = arith.addi %get3A_270, %add3A_282 : vector<16xi32>
    %swap3A_284 = arith.constant 32 : index
    %swap3A_285 = tpu.vector_load %arg13[%swap3A_284] {strides = array<i32>} : memref<48xi32, #tpu.memory_space<vmem>>, vector<16xi32>,
    tpu.vector_store %arg13[%swap3A_284], %add3A_283 {strides = array<i32>} : memref<48xi32, #tpu.memory_space<vmem>>, vector<16xi32>,
    %dma_start3A_286 = arith.constant 0 : i32
    %dma_start3A_287 = arith.constant 0 : i32
    %dma_start3A_288 = tpu.memref_slice %arg6[%dma_start3A_286, %dma_start3A_287] : memref<3000x1000xf32, #tpu.memory_space<hbm>> -> memref<3000x1000xf32, #tpu.memory_space<hbm>>
    tpu.enqueue_indirect_dma source(%dma_start3A_288 : memref<3000x1000xf32, #tpu.memory_space<hbm>>) target(%arg14 : memref<48x1000xf32, #tpu.memory_space<vmem>>) offsets(%arg13 : memref<48xi32, #tpu.memory_space<vmem>>) semaphore(%arg18 : memref<!tpu.dma_semaphore, #tpu.memory_space<semaphore_mem>>)
    %add3A_289 = arith.constant 0 : i32
    %add3A_290 = arith.addi %mul3A_6, %add3A_289 : i32
    %mul3A_291 = arith.constant 16 : i32
    %mul3A_292 = arith.muli %add3A_290, %mul3A_291 : i32
    %mul3A_293 = arith.constant 3000 : i32
    %mul3A_294 = arith.muli %mul3A_292, %mul3A_293 : i32
    %dma_start3A_295 = tpu.memref_slice %arg8[%mul3A_294] : memref<3072000xf32, #tpu.memory_space<hbm>> -> memref<48000xf32, #tpu.memory_space<hbm>>
    %dma_start3A_296 = tpu.memref_slice %arg8[%mul3A_294] : memref<3072000xf32, #tpu.memory_space<hbm>> -> memref<48000xf32, #tpu.memory_space<hbm>>
    tpu.enqueue_dma source(%arg15 : memref<48000xf32, #tpu.memory_space<vmem>>) target(%dma_start3A_296 : memref<48000xf32, #tpu.memory_space<hbm>>) target_semaphore(%arg19 : memref<!tpu.dma_semaphore, #tpu.memory_space<semaphore_mem>>)
    %dma_wait3A_297 = tpu.memref_slice %arg8[%mul3A_294] : memref<3072000xf32, #tpu.memory_space<hbm>> -> memref<48000xf32, #tpu.memory_space<hbm>>
    %dma_wait3A_298 = tpu.memref_slice %arg8[%mul3A_294] : memref<3072000xf32, #tpu.memory_space<hbm>> -> memref<48000xf32, #tpu.memory_space<hbm>>
    tpu.wait_dma2 semaphore(%arg19 : memref<!tpu.dma_semaphore, #tpu.memory_space<semaphore_mem>>) src(%arg15 : memref<48000xf32, #tpu.memory_space<vmem>>) dst(%dma_wait3A_298 : memref<48000xf32, #tpu.memory_space<hbm>>)
    %scan3A_299 = arith.constant 0 : i32
    %scan3A_300 = arith.constant 0 : i32
    %scan3A_301 = arith.constant 125 : i32
    %scan3A_302 = arith.addi %scan3A_300, %scan3A_301 : i32
    %scan3A_303 = arith.constant 1 : i32
    %scan3A_304 = scf.for %scan3A_348 = %scan3A_300 to %scan3A_302 step %scan3A_303 iter_args(%scan3A_349 = %scan3A_299) -> (i32)  : i32 {
      %mul3A_350 = arith.constant 384 : i32
      %mul3A_351 = arith.muli %scan3A_348, %mul3A_350 : i32
      %add3A_352 = arith.constant 0 : i32
      %add3A_353 = arith.addi %mul3A_351, %add3A_352 : i32
      %swap3A_354 = arith.index_cast %add3A_353 : i32 to index
      %swap3A_355 = tpu.vector_load %arg15[%swap3A_354] {strides = array<i32>} : memref<48000xf32, #tpu.memory_space<vmem>>, vector<16xf32>,
      tpu.vector_store %arg15[%swap3A_354], %broadcast_in_dim3A_4 {strides = array<i32>} : memref<48000xf32, #tpu.memory_space<vmem>>, vector<16xf32>,
      %add3A_356 = arith.constant 16 : i32
      %add3A_357 = arith.addi %mul3A_351, %add3A_356 : i32
      %swap3A_358 = arith.index_cast %add3A_357 : i32 to index
      %swap3A_359 = tpu.vector_load %arg15[%swap3A_358] {strides = array<i32>} : memref<48000xf32, #tpu.memory_space<vmem>>, vector<16xf32>,
      tpu.vector_store %arg15[%swap3A_358], %broadcast_in_dim3A_4 {strides = array<i32>} : memref<48000xf32, #tpu.memory_space<vmem>>, vector<16xf32>,
      %add3A_360 = arith.constant 32 : i32
      %add3A_361 = arith.addi %mul3A_351, %add3A_360 : i32
      %swap3A_362 = arith.index_cast %add3A_361 : i32 to index
      %swap3A_363 = tpu.vector_load %arg15[%swap3A_362] {strides = array<i32>} : memref<48000xf32, #tpu.memory_space<vmem>>, vector<16xf32>,
      tpu.vector_store %arg15[%swap3A_362], %broadcast_in_dim3A_4 {strides = array<i32>} : memref<48000xf32, #tpu.memory_space<vmem>>, vector<16xf32>,
      %add3A_364 = arith.constant 48 : i32
      %add3A_365 = arith.addi %mul3A_351, %add3A_364 : i32
      %swap3A_366 = arith.index_cast %add3A_365 : i32 to index
      %swap3A_367 = tpu.vector_load %arg15[%swap3A_366] {strides = array<i32>} : memref<48000xf32, #tpu.memory_space<vmem>>, vector<16xf32>,
      tpu.vector_store %arg15[%swap3A_366], %broadcast_in_dim3A_4 {strides = array<i32>} : memref<48000xf32, #tpu.memory_space<vmem>>, vector<16xf32>,
      %add3A_368 = arith.constant 64 : i32
      %add3A_369 = arith.addi %mul3A_351, %add3A_368 : i32
      %swap3A_370 = arith.index_cast %add3A_369 : i32 to index
      %swap3A_371 = tpu.vector_load %arg15[%swap3A_370] {strides = array<i32>} : memref<48000xf32, #tpu.memory_space<vmem>>, vector<16xf32>,
      tpu.vector_store %arg15[%swap3A_370], %broadcast_in_dim3A_4 {strides = array<i32>} : memref<48000xf32, #tpu.memory_space<vmem>>, vector<16xf32>,
      %add3A_372 = arith.constant 80 : i32
      %add3A_373 = arith.addi %mul3A_351, %add3A_372 : i32
      %swap3A_374 = arith.index_cast %add3A_373 : i32 to index
      %swap3A_375 = tpu.vector_load %arg15[%swap3A_374] {strides = array<i32>} : memref<48000xf32, #tpu.memory_space<vmem>>, vector<16xf32>,
      tpu.vector_store %arg15[%swap3A_374], %broadcast_in_dim3A_4 {strides = array<i32>} : memref<48000xf32, #tpu.memory_space<vmem>>, vector<16xf32>,
      %add3A_376 = arith.constant 96 : i32
      %add3A_377 = arith.addi %mul3A_351, %add3A_376 : i32
      %swap3A_378 = arith.index_cast %add3A_377 : i32 to index
      %swap3A_379 = tpu.vector_load %arg15[%swap3A_378] {strides = array<i32>} : memref<48000xf32, #tpu.memory_space<vmem>>, vector<16xf32>,
      tpu.vector_store %arg15[%swap3A_378], %broadcast_in_dim3A_4 {strides = array<i32>} : memref<48000xf32, #tpu.memory_space<vmem>>, vector<16xf32>,
      %add3A_380 = arith.constant 112 : i32
      %add3A_381 = arith.addi %mul3A_351, %add3A_380 : i32
      %swap3A_382 = arith.index_cast %add3A_381 : i32 to index
      %swap3A_383 = tpu.vector_load %arg15[%swap3A_382] {strides = array<i32>} : memref<48000xf32, #tpu.memory_space<vmem>>, vector<16xf32>,
      tpu.vector_store %arg15[%swap3A_382], %broadcast_in_dim3A_4 {strides = array<i32>} : memref<48000xf32, #tpu.memory_space<vmem>>, vector<16xf32>,
      %add3A_384 = arith.constant 128 : i32
      %add3A_385 = arith.addi %mul3A_351, %add3A_384 : i32
      %swap3A_386 = arith.index_cast %add3A_385 : i32 to index
      %swap3A_387 = tpu.vector_load %arg15[%swap3A_386] {strides = array<i32>} : memref<48000xf32, #tpu.memory_space<vmem>>, vector<16xf32>,
      tpu.vector_store %arg15[%swap3A_386], %broadcast_in_dim3A_4 {strides = array<i32>} : memref<48000xf32, #tpu.memory_space<vmem>>, vector<16xf32>,
      %add3A_388 = arith.constant 144 : i32
      %add3A_389 = arith.addi %mul3A_351, %add3A_388 : i32
      %swap3A_390 = arith.index_cast %add3A_389 : i32 to index
      %swap3A_391 = tpu.vector_load %arg15[%swap3A_390] {strides = array<i32>} : memref<48000xf32, #tpu.memory_space<vmem>>, vector<16xf32>,
      tpu.vector_store %arg15[%swap3A_390], %broadcast_in_dim3A_4 {strides = array<i32>} : memref<48000xf32, #tpu.memory_space<vmem>>, vector<16xf32>,
      %add3A_392 = arith.constant 160 : i32
      %add3A_393 = arith.addi %mul3A_351, %add3A_392 : i32
      %swap3A_394 = arith.index_cast %add3A_393 : i32 to index
      %swap3A_395 = tpu.vector_load %arg15[%swap3A_394] {strides = array<i32>} : memref<48000xf32, #tpu.memory_space<vmem>>, vector<16xf32>,
      tpu.vector_store %arg15[%swap3A_394], %broadcast_in_dim3A_4 {strides = array<i32>} : memref<48000xf32, #tpu.memory_space<vmem>>, vector<16xf32>,
      %add3A_396 = arith.constant 176 : i32
      %add3A_397 = arith.addi %mul3A_351, %add3A_396 : i32
      %swap3A_398 = arith.index_cast %add3A_397 : i32 to index
      %swap3A_399 = tpu.vector_load %arg15[%swap3A_398] {strides = array<i32>} : memref<48000xf32, #tpu.memory_space<vmem>>, vector<16xf32>,
      tpu.vector_store %arg15[%swap3A_398], %broadcast_in_dim3A_4 {strides = array<i32>} : memref<48000xf32, #tpu.memory_space<vmem>>, vector<16xf32>,
      %add3A_400 = arith.constant 192 : i32
      %add3A_401 = arith.addi %mul3A_351, %add3A_400 : i32
      %swap3A_402 = arith.index_cast %add3A_401 : i32 to index
      %swap3A_403 = tpu.vector_load %arg15[%swap3A_402] {strides = array<i32>} : memref<48000xf32, #tpu.memory_space<vmem>>, vector<16xf32>,
      tpu.vector_store %arg15[%swap3A_402], %broadcast_in_dim3A_4 {strides = array<i32>} : memref<48000xf32, #tpu.memory_space<vmem>>, vector<16xf32>,
      %add3A_404 = arith.constant 208 : i32
      %add3A_405 = arith.addi %mul3A_351, %add3A_404 : i32
      %swap3A_406 = arith.index_cast %add3A_405 : i32 to index
      %swap3A_407 = tpu.vector_load %arg15[%swap3A_406] {strides = array<i32>} : memref<48000xf32, #tpu.memory_space<vmem>>, vector<16xf32>,
      tpu.vector_store %arg15[%swap3A_406], %broadcast_in_dim3A_4 {strides = array<i32>} : memref<48000xf32, #tpu.memory_space<vmem>>, vector<16xf32>,
      %add3A_408 = arith.constant 224 : i32
      %add3A_409 = arith.addi %mul3A_351, %add3A_408 : i32
      %swap3A_410 = arith.index_cast %add3A_409 : i32 to index
      %swap3A_411 = tpu.vector_load %arg15[%swap3A_410] {strides = array<i32>} : memref<48000xf32, #tpu.memory_space<vmem>>, vector<16xf32>,
      tpu.vector_store %arg15[%swap3A_410], %broadcast_in_dim3A_4 {strides = array<i32>} : memref<48000xf32, #tpu.memory_space<vmem>>, vector<16xf32>,
      %add3A_412 = arith.constant 240 : i32
      %add3A_413 = arith.addi %mul3A_351, %add3A_412 : i32
      %swap3A_414 = arith.index_cast %add3A_413 : i32 to index
      %swap3A_415 = tpu.vector_load %arg15[%swap3A_414] {strides = array<i32>} : memref<48000xf32, #tpu.memory_space<vmem>>, vector<16xf32>,
      tpu.vector_store %arg15[%swap3A_414], %broadcast_in_dim3A_4 {strides = array<i32>} : memref<48000xf32, #tpu.memory_space<vmem>>, vector<16xf32>,
      %add3A_416 = arith.constant 256 : i32
      %add3A_417 = arith.addi %mul3A_351, %add3A_416 : i32
      %swap3A_418 = arith.index_cast %add3A_417 : i32 to index
      %swap3A_419 = tpu.vector_load %arg15[%swap3A_418] {strides = array<i32>} : memref<48000xf32, #tpu.memory_space<vmem>>, vector<16xf32>,
      tpu.vector_store %arg15[%swap3A_418], %broadcast_in_dim3A_4 {strides = array<i32>} : memref<48000xf32, #tpu.memory_space<vmem>>, vector<16xf32>,
      %add3A_420 = arith.constant 272 : i32
      %add3A_421 = arith.addi %mul3A_351, %add3A_420 : i32
      %swap3A_422 = arith.index_cast %add3A_421 : i32 to index
      %swap3A_423 = tpu.vector_load %arg15[%swap3A_422] {strides = array<i32>} : memref<48000xf32, #tpu.memory_space<vmem>>, vector<16xf32>,
      tpu.vector_store %arg15[%swap3A_422], %broadcast_in_dim3A_4 {strides = array<i32>} : memref<48000xf32, #tpu.memory_space<vmem>>, vector<16xf32>,
      %add3A_424 = arith.constant 288 : i32
      %add3A_425 = arith.addi %mul3A_351, %add3A_424 : i32
      %swap3A_426 = arith.index_cast %add3A_425 : i32 to index
      %swap3A_427 = tpu.vector_load %arg15[%swap3A_426] {strides = array<i32>} : memref<48000xf32, #tpu.memory_space<vmem>>, vector<16xf32>,
      tpu.vector_store %arg15[%swap3A_426], %broadcast_in_dim3A_4 {strides = array<i32>} : memref<48000xf32, #tpu.memory_space<vmem>>, vector<16xf32>,
      %add3A_428 = arith.constant 304 : i32
      %add3A_429 = arith.addi %mul3A_351, %add3A_428 : i32
      %swap3A_430 = arith.index_cast %add3A_429 : i32 to index
      %swap3A_431 = tpu.vector_load %arg15[%swap3A_430] {strides = array<i32>} : memref<48000xf32, #tpu.memory_space<vmem>>, vector<16xf32>,
      tpu.vector_store %arg15[%swap3A_430], %broadcast_in_dim3A_4 {strides = array<i32>} : memref<48000xf32, #tpu.memory_space<vmem>>, vector<16xf32>,
      %add3A_432 = arith.constant 320 : i32
      %add3A_433 = arith.addi %mul3A_351, %add3A_432 : i32
      %swap3A_434 = arith.index_cast %add3A_433 : i32 to index
      %swap3A_435 = tpu.vector_load %arg15[%swap3A_434] {strides = array<i32>} : memref<48000xf32, #tpu.memory_space<vmem>>, vector<16xf32>,
      tpu.vector_store %arg15[%swap3A_434], %broadcast_in_dim3A_4 {strides = array<i32>} : memref<48000xf32, #tpu.memory_space<vmem>>, vector<16xf32>,
      %add3A_436 = arith.constant 336 : i32
      %add3A_437 = arith.addi %mul3A_351, %add3A_436 : i32
      %swap3A_438 = arith.index_cast %add3A_437 : i32 to index
      %swap3A_439 = tpu.vector_load %arg15[%swap3A_438] {strides = array<i32>} : memref<48000xf32, #tpu.memory_space<vmem>>, vector<16xf32>,
      tpu.vector_store %arg15[%swap3A_438], %broadcast_in_dim3A_4 {strides = array<i32>} : memref<48000xf32, #tpu.memory_space<vmem>>, vector<16xf32>,
      %add3A_440 = arith.constant 352 : i32
      %add3A_441 = arith.addi %mul3A_351, %add3A_440 : i32
      %swap3A_442 = arith.index_cast %add3A_441 : i32 to index
      %swap3A_443 = tpu.vector_load %arg15[%swap3A_442] {strides = array<i32>} : memref<48000xf32, #tpu.memory_space<vmem>>, vector<16xf32>,
      tpu.vector_store %arg15[%swap3A_442], %broadcast_in_dim3A_4 {strides = array<i32>} : memref<48000xf32, #tpu.memory_space<vmem>>, vector<16xf32>,
      %add3A_444 = arith.constant 368 : i32
      %add3A_445 = arith.addi %mul3A_351, %add3A_444 : i32
      %swap3A_446 = arith.index_cast %add3A_445 : i32 to index
      %swap3A_447 = tpu.vector_load %arg15[%swap3A_446] {strides = array<i32>} : memref<48000xf32, #tpu.memory_space<vmem>>, vector<16xf32>,
      tpu.vector_store %arg15[%swap3A_446], %broadcast_in_dim3A_4 {strides = array<i32>} : memref<48000xf32, #tpu.memory_space<vmem>>, vector<16xf32>,
      %scan3A_448 = arith.constant 0 : i32
      scf.yield %scan3A_448 : i32
    }
    %scan3A_305 = arith.constant 125 : i32
    %dma_wait3A_306 = arith.constant 0 : i32
    %dma_wait3A_307 = arith.constant 0 : i32
    %dma_wait3A_308 = tpu.memref_slice %arg6[%dma_wait3A_306, %dma_wait3A_307] : memref<3000x1000xf32, #tpu.memory_space<hbm>> -> memref<3000x1000xf32, #tpu.memory_space<hbm>>
    tpu.wait_indirect_dma semaphore(%arg18 : memref<!tpu.dma_semaphore, #tpu.memory_space<semaphore_mem>>) src(%dma_wait3A_308 : memref<3000x1000xf32, #tpu.memory_space<hbm>>) dst(%arg14 : memref<48x1000xf32, #tpu.memory_space<vmem>>)
    %get3A_309 = arith.constant 1 : i32
    %get3A_310 = arith.index_cast %get3A_309 : i32 to index
    %get3A_311 = arith.constant 0 : index
    %get3A_312 = tpu.vector_load %arg11[%get3A_310, %get3A_311] {strides = array<i32>} : memref<2x16xf32, #tpu.memory_space<vmem>>, vector<16xf32>,
    %get3A_313 = arith.constant 1 : i32
    %get3A_314 = arith.index_cast %get3A_313 : i32 to index
    %get3A_315 = arith.constant 3184 : index
    %get3A_316 = tpu.vector_load %arg9[%get3A_314, %get3A_315] {strides = array<i32>} : memref<2x3200xf32, #tpu.memory_space<vmem>>, vector<16xf32>,
    %sub3A_317 = arith.subf %get3A_312, %get3A_316 : vector<16xf32>
    %mul3A_318 = arith.constant -5.000000e-01 : f32
    %mul3A_319 = vector.broadcast %mul3A_318 : f32 to vector<16xf32>
    %mul3A_320 = arith.mulf %sub3A_317, %mul3A_319 : vector<16xf32>
    %exp3A_321 = math.exp %mul3A_320 : vector<16xf32>
    %mul3A_322 = arith.mulf %exp3A_321, %exp3A_321 : vector<16xf32>
    %mul3A_323 = arith.mulf %mul3A_322, %mul3A_322 : vector<16xf32>
    %scan3A_324 = arith.constant 0 : i32
    %scan3A_325 = arith.constant 50 : i32
    %scan3A_326 = arith.addi %scan3A_324, %scan3A_325 : i32
    %scan3A_327 = arith.constant 1 : i32
    %scan3A_328 = scf.for %scan3A_348 = %scan3A_324 to %scan3A_326 step %scan3A_327 iter_args(%scan3A_349 = %broadcast_in_dim3A_4) -> (vector<16xf32>)  : i32 {
      %mul3A_350 = arith.constant 4 : i32
      %mul3A_351 = arith.muli %mul3A_350, %scan3A_348 : i32
      %add3A_352 = arith.constant 0 : i32
      %add3A_353 = arith.addi %mul3A_351, %add3A_352 : i32
      %mul3A_354 = arith.constant 16 : i32
      %mul3A_355 = arith.muli %add3A_353, %mul3A_354 : i32
      %get3A_356 = arith.constant 1 : i32
      %get3A_357 = arith.index_cast %get3A_356 : i32 to index
      %get3A_358 = arith.index_cast %mul3A_355 : i32 to index
      %get3A_359 = tpu.vector_load %arg9[%get3A_357, %get3A_358] {strides = array<i32>} : memref<2x3200xf32, #tpu.memory_space<vmem>>, vector<16xf32>,
      %get3A_360 = arith.constant 1 : i32
      %get3A_361 = arith.index_cast %get3A_360 : i32 to index
      %get3A_362 = arith.index_cast %mul3A_355 : i32 to index
      %get3A_363 = tpu.vector_load %arg10[%get3A_361, %get3A_362] {strides = array<i32>} : memref<2x3200xi32, #tpu.memory_space<vmem>>, vector<16xi32>,
      %sub3A_364 = arith.subf %get3A_316, %get3A_359 : vector<16xf32>
      %mul3A_365 = arith.constant -5.000000e-01 : f32
      %mul3A_366 = vector.broadcast %mul3A_365 : f32 to vector<16xf32>
      %mul3A_367 = arith.mulf %sub3A_364, %mul3A_366 : vector<16xf32>
      %exp3A_368 = math.exp %mul3A_367 : vector<16xf32>
      %mul3A_369 = arith.mulf %exp3A_368, %exp3A_368 : vector<16xf32>
      %mul3A_370 = arith.mulf %mul3A_369, %mul3A_369 : vector<16xf32>
      %mul3A_371 = arith.mulf %exp3A_368, %exp3A_321 : vector<16xf32>
      %mul3A_372 = arith.mulf %mul3A_369, %mul3A_322 : vector<16xf32>
      %mul3A_373 = arith.mulf %mul3A_370, %mul3A_323 : vector<16xf32>
      %add3A_374 = arith.constant 0 : i32
      %add3A_375 = vector.broadcast %add3A_374 : i32 to vector<16xi32>
      %add3A_376 = arith.addi %iota3A, %add3A_375 : vector<16xi32>
      %gather3A = tpu.vector_load_idx %arg14[%add3A_376, %get3A_363] : memref<48x1000xf32, #tpu.memory_space<vmem>>[vector<16xi32>, vector<16xi32>], vector<16xf32>,
      %mul3A_377 = arith.constant 5.000000e-01 : f32
      %mul3A_378 = vector.broadcast %mul3A_377 : f32 to vector<16xf32>
      %mul3A_379 = arith.mulf %mul3A_371, %mul3A_378 : vector<16xf32>
      %mul3A_380 = arith.mulf %gather3A, %mul3A_379 : vector<16xf32>
      %add3A_381 = arith.addf %scan3A_349, %mul3A_380 : vector<16xf32>
      %add3A_382 = arith.constant 0 : i32
      %add3A_383 = vector.broadcast %add3A_382 : i32 to vector<16xi32>
      %add3A_384 = arith.addi %mul3A_3, %add3A_383 : vector<16xi32>
      %add3A_385 = arith.addi %get3A_363, %add3A_384 : vector<16xi32>
      %sub3A_386 = arith.subf %exp3A_368, %mul3A_371 : vector<16xf32>
      tpu.vector_store_idx %arg15[%add3A_385], %sub3A_386 {add = true} : memref<48000xf32, #tpu.memory_space<vmem>>[vector<16xi32>], vector<16xf32>,
      %add3A_387 = arith.constant 16 : i32
      %add3A_388 = vector.broadcast %add3A_387 : i32 to vector<16xi32>
      %add3A_389 = arith.addi %iota3A, %add3A_388 : vector<16xi32>
      %gather3A_390 = tpu.vector_load_idx %arg14[%add3A_389, %get3A_363] : memref<48x1000xf32, #tpu.memory_space<vmem>>[vector<16xi32>, vector<16xi32>], vector<16xf32>,
      %mul3A_391 = arith.constant 1.000000e+00 : f32
      %mul3A_392 = vector.broadcast %mul3A_391 : f32 to vector<16xf32>
      %mul3A_393 = arith.mulf %mul3A_372, %mul3A_392 : vector<16xf32>
      %mul3A_394 = arith.mulf %gather3A_390, %mul3A_393 : vector<16xf32>
      %add3A_395 = arith.addf %add3A_381, %mul3A_394 : vector<16xf32>
      %add3A_396 = arith.constant 1000 : i32
      %add3A_397 = vector.broadcast %add3A_396 : i32 to vector<16xi32>
      %add3A_398 = arith.addi %mul3A_3, %add3A_397 : vector<16xi32>
      %add3A_399 = arith.addi %get3A_363, %add3A_398 : vector<16xi32>
      %sub3A_400 = arith.subf %mul3A_369, %mul3A_372 : vector<16xf32>
      tpu.vector_store_idx %arg15[%add3A_399], %sub3A_400 {add = true} : memref<48000xf32, #tpu.memory_space<vmem>>[vector<16xi32>], vector<16xf32>,
      %add3A_401 = arith.constant 32 : i32
      %add3A_402 = vector.broadcast %add3A_401 : i32 to vector<16xi32>
      %add3A_403 = arith.addi %iota3A, %add3A_402 : vector<16xi32>
      %gather3A_404 = tpu.vector_load_idx %arg14[%add3A_403, %get3A_363] : memref<48x1000xf32, #tpu.memory_space<vmem>>[vector<16xi32>, vector<16xi32>], vector<16xf32>,
      %mul3A_405 = arith.constant 2.000000e+00 : f32
      %mul3A_406 = vector.broadcast %mul3A_405 : f32 to vector<16xf32>
      %mul3A_407 = arith.mulf %mul3A_373, %mul3A_406 : vector<16xf32>
      %mul3A_408 = arith.mulf %gather3A_404, %mul3A_407 : vector<16xf32>
      %add3A_409 = arith.addf %add3A_395, %mul3A_408 : vector<16xf32>
      %add3A_410 = arith.constant 2000 : i32
      %add3A_411 = vector.broadcast %add3A_410 : i32 to vector<16xi32>
      %add3A_412 = arith.addi %mul3A_3, %add3A_411 : vector<16xi32>
      %add3A_413 = arith.addi %get3A_363, %add3A_412 : vector<16xi32>
      %sub3A_414 = arith.subf %mul3A_370, %mul3A_373 : vector<16xf32>
      tpu.vector_store_idx %arg15[%add3A_413], %sub3A_414 {add = true} : memref<48000xf32, #tpu.memory_space<vmem>>[vector<16xi32>], vector<16xf32>,
      %mul3A_415 = arith.constant 4 : i32
      %mul3A_416 = arith.muli %mul3A_415, %scan3A_348 : i32
      %add3A_417 = arith.constant 1 : i32
      %add3A_418 = arith.addi %mul3A_416, %add3A_417 : i32
      %mul3A_419 = arith.constant 16 : i32
      %mul3A_420 = arith.muli %add3A_418, %mul3A_419 : i32
      %get3A_421 = arith.constant 1 : i32
      %get3A_422 = arith.index_cast %get3A_421 : i32 to index
      %get3A_423 = arith.index_cast %mul3A_420 : i32 to index
      %get3A_424 = tpu.vector_load %arg9[%get3A_422, %get3A_423] {strides = array<i32>} : memref<2x3200xf32, #tpu.memory_space<vmem>>, vector<16xf32>,
      %get3A_425 = arith.constant 1 : i32
      %get3A_426 = arith.index_cast %get3A_425 : i32 to index
      %get3A_427 = arith.index_cast %mul3A_420 : i32 to index
      %get3A_428 = tpu.vector_load %arg10[%get3A_426, %get3A_427] {strides = array<i32>} : memref<2x3200xi32, #tpu.memory_space<vmem>>, vector<16xi32>,
      %sub3A_429 = arith.subf %get3A_316, %get3A_424 : vector<16xf32>
      %mul3A_430 = arith.constant -5.000000e-01 : f32
      %mul3A_431 = vector.broadcast %mul3A_430 : f32 to vector<16xf32>
      %mul3A_432 = arith.mulf %sub3A_429, %mul3A_431 : vector<16xf32>
      %exp3A_433 = math.exp %mul3A_432 : vector<16xf32>
      %mul3A_434 = arith.mulf %exp3A_433, %exp3A_433 : vector<16xf32>
      %mul3A_435 = arith.mulf %mul3A_434, %mul3A_434 : vector<16xf32>
      %mul3A_436 = arith.mulf %exp3A_433, %exp3A_321 : vector<16xf32>
      %mul3A_437 = arith.mulf %mul3A_434, %mul3A_322 : vector<16xf32>
      %mul3A_438 = arith.mulf %mul3A_435, %mul3A_323 : vector<16xf32>
      %add3A_439 = arith.constant 0 : i32
      %add3A_440 = vector.broadcast %add3A_439 : i32 to vector<16xi32>
      %add3A_441 = arith.addi %iota3A, %add3A_440 : vector<16xi32>
      %gather3A_442 = tpu.vector_load_idx %arg14[%add3A_441, %get3A_428] : memref<48x1000xf32, #tpu.memory_space<vmem>>[vector<16xi32>, vector<16xi32>], vector<16xf32>,
      %mul3A_443 = arith.constant 5.000000e-01 : f32
      %mul3A_444 = vector.broadcast %mul3A_443 : f32 to vector<16xf32>
      %mul3A_445 = arith.mulf %mul3A_436, %mul3A_444 : vector<16xf32>
      %mul3A_446 = arith.mulf %gather3A_442, %mul3A_445 : vector<16xf32>
      %add3A_447 = arith.addf %add3A_409, %mul3A_446 : vector<16xf32>
      %add3A_448 = arith.constant 0 : i32
      %add3A_449 = vector.broadcast %add3A_448 : i32 to vector<16xi32>
      %add3A_450 = arith.addi %mul3A_3, %add3A_449 : vector<16xi32>
      %add3A_451 = arith.addi %get3A_428, %add3A_450 : vector<16xi32>
      %sub3A_452 = arith.subf %exp3A_433, %mul3A_436 : vector<16xf32>
      tpu.vector_store_idx %arg15[%add3A_451], %sub3A_452 {add = true} : memref<48000xf32, #tpu.memory_space<vmem>>[vector<16xi32>], vector<16xf32>,
      %add3A_453 = arith.constant 16 : i32
      %add3A_454 = vector.broadcast %add3A_453 : i32 to vector<16xi32>
      %add3A_455 = arith.addi %iota3A, %add3A_454 : vector<16xi32>
      %gather3A_456 = tpu.vector_load_idx %arg14[%add3A_455, %get3A_428] : memref<48x1000xf32, #tpu.memory_space<vmem>>[vector<16xi32>, vector<16xi32>], vector<16xf32>,
      %mul3A_457 = arith.constant 1.000000e+00 : f32
      %mul3A_458 = vector.broadcast %mul3A_457 : f32 to vector<16xf32>
      %mul3A_459 = arith.mulf %mul3A_437, %mul3A_458 : vector<16xf32>
      %mul3A_460 = arith.mulf %gather3A_456, %mul3A_459 : vector<16xf32>
      %add3A_461 = arith.addf %add3A_447, %mul3A_460 : vector<16xf32>
      %add3A_462 = arith.constant 1000 : i32
      %add3A_463 = vector.broadcast %add3A_462 : i32 to vector<16xi32>
      %add3A_464 = arith.addi %mul3A_3, %add3A_463 : vector<16xi32>
      %add3A_465 = arith.addi %get3A_428, %add3A_464 : vector<16xi32>
      %sub3A_466 = arith.subf %mul3A_434, %mul3A_437 : vector<16xf32>
      tpu.vector_store_idx %arg15[%add3A_465], %sub3A_466 {add = true} : memref<48000xf32, #tpu.memory_space<vmem>>[vector<16xi32>], vector<16xf32>,
      %add3A_467 = arith.constant 32 : i32
      %add3A_468 = vector.broadcast %add3A_467 : i32 to vector<16xi32>
      %add3A_469 = arith.addi %iota3A, %add3A_468 : vector<16xi32>
      %gather3A_470 = tpu.vector_load_idx %arg14[%add3A_469, %get3A_428] : memref<48x1000xf32, #tpu.memory_space<vmem>>[vector<16xi32>, vector<16xi32>], vector<16xf32>,
      %mul3A_471 = arith.constant 2.000000e+00 : f32
      %mul3A_472 = vector.broadcast %mul3A_471 : f32 to vector<16xf32>
      %mul3A_473 = arith.mulf %mul3A_438, %mul3A_472 : vector<16xf32>
      %mul3A_474 = arith.mulf %gather3A_470, %mul3A_473 : vector<16xf32>
      %add3A_475 = arith.addf %add3A_461, %mul3A_474 : vector<16xf32>
      %add3A_476 = arith.constant 2000 : i32
      %add3A_477 = vector.broadcast %add3A_476 : i32 to vector<16xi32>
      %add3A_478 = arith.addi %mul3A_3, %add3A_477 : vector<16xi32>
      %add3A_479 = arith.addi %get3A_428, %add3A_478 : vector<16xi32>
      %sub3A_480 = arith.subf %mul3A_435, %mul3A_438 : vector<16xf32>
      tpu.vector_store_idx %arg15[%add3A_479], %sub3A_480 {add = true} : memref<48000xf32, #tpu.memory_space<vmem>>[vector<16xi32>], vector<16xf32>,
      %mul3A_481 = arith.constant 4 : i32
      %mul3A_482 = arith.muli %mul3A_481, %scan3A_348 : i32
      %add3A_483 = arith.constant 2 : i32
      %add3A_484 = arith.addi %mul3A_482, %add3A_483 : i32
      %mul3A_485 = arith.constant 16 : i32
      %mul3A_486 = arith.muli %add3A_484, %mul3A_485 : i32
      %get3A_487 = arith.constant 1 : i32
      %get3A_488 = arith.index_cast %get3A_487 : i32 to index
      %get3A_489 = arith.index_cast %mul3A_486 : i32 to index
      %get3A_490 = tpu.vector_load %arg9[%get3A_488, %get3A_489] {strides = array<i32>} : memref<2x3200xf32, #tpu.memory_space<vmem>>, vector<16xf32>,
      %get3A_491 = arith.constant 1 : i32
      %get3A_492 = arith.index_cast %get3A_491 : i32 to index
      %get3A_493 = arith.index_cast %mul3A_486 : i32 to index
      %get3A_494 = tpu.vector_load %arg10[%get3A_492, %get3A_493] {strides = array<i32>} : memref<2x3200xi32, #tpu.memory_space<vmem>>, vector<16xi32>,
      %sub3A_495 = arith.subf %get3A_316, %get3A_490 : vector<16xf32>
      %mul3A_496 = arith.constant -5.000000e-01 : f32
      %mul3A_497 = vector.broadcast %mul3A_496 : f32 to vector<16xf32>
      %mul3A_498 = arith.mulf %sub3A_495, %mul3A_497 : vector<16xf32>
      %exp3A_499 = math.exp %mul3A_498 : vector<16xf32>
      %mul3A_500 = arith.mulf %exp3A_499, %exp3A_499 : vector<16xf32>
      %mul3A_501 = arith.mulf %mul3A_500, %mul3A_500 : vector<16xf32>
      %mul3A_502 = arith.mulf %exp3A_499, %exp3A_321 : vector<16xf32>
      %mul3A_503 = arith.mulf %mul3A_500, %mul3A_322 : vector<16xf32>
      %mul3A_504 = arith.mulf %mul3A_501, %mul3A_323 : vector<16xf32>
      %add3A_505 = arith.constant 0 : i32
      %add3A_506 = vector.broadcast %add3A_505 : i32 to vector<16xi32>
      %add3A_507 = arith.addi %iota3A, %add3A_506 : vector<16xi32>
      %gather3A_508 = tpu.vector_load_idx %arg14[%add3A_507, %get3A_494] : memref<48x1000xf32, #tpu.memory_space<vmem>>[vector<16xi32>, vector<16xi32>], vector<16xf32>,
      %mul3A_509 = arith.constant 5.000000e-01 : f32
      %mul3A_510 = vector.broadcast %mul3A_509 : f32 to vector<16xf32>
      %mul3A_511 = arith.mulf %mul3A_502, %mul3A_510 : vector<16xf32>
      %mul3A_512 = arith.mulf %gather3A_508, %mul3A_511 : vector<16xf32>
      %add3A_513 = arith.addf %add3A_475, %mul3A_512 : vector<16xf32>
      %add3A_514 = arith.constant 0 : i32
      %add3A_515 = vector.broadcast %add3A_514 : i32 to vector<16xi32>
      %add3A_516 = arith.addi %mul3A_3, %add3A_515 : vector<16xi32>
      %add3A_517 = arith.addi %get3A_494, %add3A_516 : vector<16xi32>
      %sub3A_518 = arith.subf %exp3A_499, %mul3A_502 : vector<16xf32>
      tpu.vector_store_idx %arg15[%add3A_517], %sub3A_518 {add = true} : memref<48000xf32, #tpu.memory_space<vmem>>[vector<16xi32>], vector<16xf32>,
      %add3A_519 = arith.constant 16 : i32
      %add3A_520 = vector.broadcast %add3A_519 : i32 to vector<16xi32>
      %add3A_521 = arith.addi %iota3A, %add3A_520 : vector<16xi32>
      %gather3A_522 = tpu.vector_load_idx %arg14[%add3A_521, %get3A_494] : memref<48x1000xf32, #tpu.memory_space<vmem>>[vector<16xi32>, vector<16xi32>], vector<16xf32>,
      %mul3A_523 = arith.constant 1.000000e+00 : f32
      %mul3A_524 = vector.broadcast %mul3A_523 : f32 to vector<16xf32>
      %mul3A_525 = arith.mulf %mul3A_503, %mul3A_524 : vector<16xf32>
      %mul3A_526 = arith.mulf %gather3A_522, %mul3A_525 : vector<16xf32>
      %add3A_527 = arith.addf %add3A_513, %mul3A_526 : vector<16xf32>
      %add3A_528 = arith.constant 1000 : i32
      %add3A_529 = vector.broadcast %add3A_528 : i32 to vector<16xi32>
      %add3A_530 = arith.addi %mul3A_3, %add3A_529 : vector<16xi32>
      %add3A_531 = arith.addi %get3A_494, %add3A_530 : vector<16xi32>
      %sub3A_532 = arith.subf %mul3A_500, %mul3A_503 : vector<16xf32>
      tpu.vector_store_idx %arg15[%add3A_531], %sub3A_532 {add = true} : memref<48000xf32, #tpu.memory_space<vmem>>[vector<16xi32>], vector<16xf32>,
      %add3A_533 = arith.constant 32 : i32
      %add3A_534 = vector.broadcast %add3A_533 : i32 to vector<16xi32>
      %add3A_535 = arith.addi %iota3A, %add3A_534 : vector<16xi32>
      %gather3A_536 = tpu.vector_load_idx %arg14[%add3A_535, %get3A_494] : memref<48x1000xf32, #tpu.memory_space<vmem>>[vector<16xi32>, vector<16xi32>], vector<16xf32>,
      %mul3A_537 = arith.constant 2.000000e+00 : f32
      %mul3A_538 = vector.broadcast %mul3A_537 : f32 to vector<16xf32>
      %mul3A_539 = arith.mulf %mul3A_504, %mul3A_538 : vector<16xf32>
      %mul3A_540 = arith.mulf %gather3A_536, %mul3A_539 : vector<16xf32>
      %add3A_541 = arith.addf %add3A_527, %mul3A_540 : vector<16xf32>
      %add3A_542 = arith.constant 2000 : i32
      %add3A_543 = vector.broadcast %add3A_542 : i32 to vector<16xi32>
      %add3A_544 = arith.addi %mul3A_3, %add3A_543 : vector<16xi32>
      %add3A_545 = arith.addi %get3A_494, %add3A_544 : vector<16xi32>
      %sub3A_546 = arith.subf %mul3A_501, %mul3A_504 : vector<16xf32>
      tpu.vector_store_idx %arg15[%add3A_545], %sub3A_546 {add = true} : memref<48000xf32, #tpu.memory_space<vmem>>[vector<16xi32>], vector<16xf32>,
      %mul3A_547 = arith.constant 4 : i32
      %mul3A_548 = arith.muli %mul3A_547, %scan3A_348 : i32
      %add3A_549 = arith.constant 3 : i32
      %add3A_550 = arith.addi %mul3A_548, %add3A_549 : i32
      %mul3A_551 = arith.constant 16 : i32
      %mul3A_552 = arith.muli %add3A_550, %mul3A_551 : i32
      %get3A_553 = arith.constant 1 : i32
      %get3A_554 = arith.index_cast %get3A_553 : i32 to index
      %get3A_555 = arith.index_cast %mul3A_552 : i32 to index
      %get3A_556 = tpu.vector_load %arg9[%get3A_554, %get3A_555] {strides = array<i32>} : memref<2x3200xf32, #tpu.memory_space<vmem>>, vector<16xf32>,
      %get3A_557 = arith.constant 1 : i32
      %get3A_558 = arith.index_cast %get3A_557 : i32 to index
      %get3A_559 = arith.index_cast %mul3A_552 : i32 to index
      %get3A_560 = tpu.vector_load %arg10[%get3A_558, %get3A_559] {strides = array<i32>} : memref<2x3200xi32, #tpu.memory_space<vmem>>, vector<16xi32>,
      %sub3A_561 = arith.subf %get3A_316, %get3A_556 : vector<16xf32>
      %mul3A_562 = arith.constant -5.000000e-01 : f32
      %mul3A_563 = vector.broadcast %mul3A_562 : f32 to vector<16xf32>
      %mul3A_564 = arith.mulf %sub3A_561, %mul3A_563 : vector<16xf32>
      %exp3A_565 = math.exp %mul3A_564 : vector<16xf32>
      %mul3A_566 = arith.mulf %exp3A_565, %exp3A_565 : vector<16xf32>
      %mul3A_567 = arith.mulf %mul3A_566, %mul3A_566 : vector<16xf32>
      %mul3A_568 = arith.mulf %exp3A_565, %exp3A_321 : vector<16xf32>
      %mul3A_569 = arith.mulf %mul3A_566, %mul3A_322 : vector<16xf32>
      %mul3A_570 = arith.mulf %mul3A_567, %mul3A_323 : vector<16xf32>
      %add3A_571 = arith.constant 0 : i32
      %add3A_572 = vector.broadcast %add3A_571 : i32 to vector<16xi32>
      %add3A_573 = arith.addi %iota3A, %add3A_572 : vector<16xi32>
      %gather3A_574 = tpu.vector_load_idx %arg14[%add3A_573, %get3A_560] : memref<48x1000xf32, #tpu.memory_space<vmem>>[vector<16xi32>, vector<16xi32>], vector<16xf32>,
      %mul3A_575 = arith.constant 5.000000e-01 : f32
      %mul3A_576 = vector.broadcast %mul3A_575 : f32 to vector<16xf32>
      %mul3A_577 = arith.mulf %mul3A_568, %mul3A_576 : vector<16xf32>
      %mul3A_578 = arith.mulf %gather3A_574, %mul3A_577 : vector<16xf32>
      %add3A_579 = arith.addf %add3A_541, %mul3A_578 : vector<16xf32>
      %add3A_580 = arith.constant 0 : i32
      %add3A_581 = vector.broadcast %add3A_580 : i32 to vector<16xi32>
      %add3A_582 = arith.addi %mul3A_3, %add3A_581 : vector<16xi32>
      %add3A_583 = arith.addi %get3A_560, %add3A_582 : vector<16xi32>
      %sub3A_584 = arith.subf %exp3A_565, %mul3A_568 : vector<16xf32>
      tpu.vector_store_idx %arg15[%add3A_583], %sub3A_584 {add = true} : memref<48000xf32, #tpu.memory_space<vmem>>[vector<16xi32>], vector<16xf32>,
      %add3A_585 = arith.constant 16 : i32
      %add3A_586 = vector.broadcast %add3A_585 : i32 to vector<16xi32>
      %add3A_587 = arith.addi %iota3A, %add3A_586 : vector<16xi32>
      %gather3A_588 = tpu.vector_load_idx %arg14[%add3A_587, %get3A_560] : memref<48x1000xf32, #tpu.memory_space<vmem>>[vector<16xi32>, vector<16xi32>], vector<16xf32>,
      %mul3A_589 = arith.constant 1.000000e+00 : f32
      %mul3A_590 = vector.broadcast %mul3A_589 : f32 to vector<16xf32>
      %mul3A_591 = arith.mulf %mul3A_569, %mul3A_590 : vector<16xf32>
      %mul3A_592 = arith.mulf %gather3A_588, %mul3A_591 : vector<16xf32>
      %add3A_593 = arith.addf %add3A_579, %mul3A_592 : vector<16xf32>
      %add3A_594 = arith.constant 1000 : i32
      %add3A_595 = vector.broadcast %add3A_594 : i32 to vector<16xi32>
      %add3A_596 = arith.addi %mul3A_3, %add3A_595 : vector<16xi32>
      %add3A_597 = arith.addi %get3A_560, %add3A_596 : vector<16xi32>
      %sub3A_598 = arith.subf %mul3A_566, %mul3A_569 : vector<16xf32>
      tpu.vector_store_idx %arg15[%add3A_597], %sub3A_598 {add = true} : memref<48000xf32, #tpu.memory_space<vmem>>[vector<16xi32>], vector<16xf32>,
      %add3A_599 = arith.constant 32 : i32
      %add3A_600 = vector.broadcast %add3A_599 : i32 to vector<16xi32>
      %add3A_601 = arith.addi %iota3A, %add3A_600 : vector<16xi32>
      %gather3A_602 = tpu.vector_load_idx %arg14[%add3A_601, %get3A_560] : memref<48x1000xf32, #tpu.memory_space<vmem>>[vector<16xi32>, vector<16xi32>], vector<16xf32>,
      %mul3A_603 = arith.constant 2.000000e+00 : f32
      %mul3A_604 = vector.broadcast %mul3A_603 : f32 to vector<16xf32>
      %mul3A_605 = arith.mulf %mul3A_570, %mul3A_604 : vector<16xf32>
      %mul3A_606 = arith.mulf %gather3A_602, %mul3A_605 : vector<16xf32>
      %add3A_607 = arith.addf %add3A_593, %mul3A_606 : vector<16xf32>
      %add3A_608 = arith.constant 2000 : i32
      %add3A_609 = vector.broadcast %add3A_608 : i32 to vector<16xi32>
      %add3A_610 = arith.addi %mul3A_3, %add3A_609 : vector<16xi32>
      %add3A_611 = arith.addi %get3A_560, %add3A_610 : vector<16xi32>
      %sub3A_612 = arith.subf %mul3A_567, %mul3A_570 : vector<16xf32>
      tpu.vector_store_idx %arg15[%add3A_611], %sub3A_612 {add = true} : memref<48000xf32, #tpu.memory_space<vmem>>[vector<16xi32>], vector<16xf32>,
      scf.yield %add3A_607 : vector<16xf32>
    }
    %scan3A_329 = arith.constant 50 : i32
    %swap3A_330 = arith.constant 16 : index
    %swap3A_331 = tpu.vector_load %arg16[%swap3A_330] {strides = array<i32>} : memref<32xf32, #tpu.memory_space<vmem>>, vector<16xf32>,
    tpu.vector_store %arg16[%swap3A_330], %scan3A_328 {strides = array<i32>} : memref<32xf32, #tpu.memory_space<vmem>>, vector<16xf32>,
    %add3A_332 = arith.constant 1 : i32
    %add3A_333 = arith.addi %mul3A_6, %add3A_332 : i32
    %mul3A_334 = arith.constant 16 : i32
    %mul3A_335 = arith.muli %add3A_333, %mul3A_334 : i32
    %mul3A_336 = arith.constant 3000 : i32
    %mul3A_337 = arith.muli %mul3A_335, %mul3A_336 : i32
    %dma_start3A_338 = tpu.memref_slice %arg8[%mul3A_337] : memref<3072000xf32, #tpu.memory_space<hbm>> -> memref<48000xf32, #tpu.memory_space<hbm>>
    %dma_start3A_339 = tpu.memref_slice %arg8[%mul3A_337] : memref<3072000xf32, #tpu.memory_space<hbm>> -> memref<48000xf32, #tpu.memory_space<hbm>>
    tpu.enqueue_dma source(%arg15 : memref<48000xf32, #tpu.memory_space<vmem>>) target(%dma_start3A_339 : memref<48000xf32, #tpu.memory_space<hbm>>) target_semaphore(%arg19 : memref<!tpu.dma_semaphore, #tpu.memory_space<semaphore_mem>>)
    %mul3A_340 = arith.constant 16 : i32
    %mul3A_341 = arith.muli %mul3A_6, %mul3A_340 : i32
    %dma_start3A_342 = tpu.memref_slice %arg7[%mul3A_341] : memref<1024xf32, #tpu.memory_space<hbm>> -> memref<32xf32, #tpu.memory_space<hbm>>
    %dma_start3A_343 = tpu.memref_slice %arg7[%mul3A_341] : memref<1024xf32, #tpu.memory_space<hbm>> -> memref<32xf32, #tpu.memory_space<hbm>>
    tpu.enqueue_dma source(%arg16 : memref<32xf32, #tpu.memory_space<vmem>>) target(%dma_start3A_343 : memref<32xf32, #tpu.memory_space<hbm>>) target_semaphore(%arg18 : memref<!tpu.dma_semaphore, #tpu.memory_space<semaphore_mem>>)
    %dma_wait3A_344 = tpu.memref_slice %arg8[%mul3A_337] : memref<3072000xf32, #tpu.memory_space<hbm>> -> memref<48000xf32, #tpu.memory_space<hbm>>
    %dma_wait3A_345 = tpu.memref_slice %arg8[%mul3A_337] : memref<3072000xf32, #tpu.memory_space<hbm>> -> memref<48000xf32, #tpu.memory_space<hbm>>
    tpu.wait_dma2 semaphore(%arg19 : memref<!tpu.dma_semaphore, #tpu.memory_space<semaphore_mem>>) src(%arg15 : memref<48000xf32, #tpu.memory_space<vmem>>) dst(%dma_wait3A_345 : memref<48000xf32, #tpu.memory_space<hbm>>)
    %dma_wait3A_346 = tpu.memref_slice %arg7[%mul3A_341] : memref<1024xf32, #tpu.memory_space<hbm>> -> memref<32xf32, #tpu.memory_space<hbm>>
    %dma_wait3A_347 = tpu.memref_slice %arg7[%mul3A_341] : memref<1024xf32, #tpu.memory_space<hbm>> -> memref<32xf32, #tpu.memory_space<hbm>>
    tpu.wait_dma2 semaphore(%arg18 : memref<!tpu.dma_semaphore, #tpu.memory_space<semaphore_mem>>) src(%arg16 : memref<32xf32, #tpu.memory_space<vmem>>) dst(%dma_wait3A_347 : memref<32xf32, #tpu.memory_space<hbm>>)
    return
  }
}

module attributes {stable_mosaic.version = 14 : i64} {
  func.func @body(%arg0: i32, %arg1: memref<256x3000xf32, #tpu.memory_space<vmem>>, %arg2: memref<3x1000x1000xbf16, #tpu.memory_space<vmem>>, %arg3: memref<256x1000xf32, #tpu.memory_space<vmem>>) attributes {dimension_semantics = [#tpu.dimension_semantics<arbitrary>], iteration_bounds = array<i64: 4>, scalar_prefetch = 0 : i64, scratch_operands = 0 : i64, tpu.core_type = #tpu.core_type<tc>, window_params = [{transform_indices = @transform_0, window_bounds = array<i64: 256, 3000>}, {pipeline_mode = #tpu.pipeline_mode<synchronous>, transform_indices = @transform_1, window_bounds = array<i64: 3, 1000, 1000>}, {transform_indices = @transform_2, window_bounds = array<i64: 256, 1000>}]} {
    %broadcast_in_dim3A = arith.constant 0.000000e+00 : f32
    %broadcast_in_dim3A_0 = vector.broadcast %broadcast_in_dim3A : f32 to vector<256x1000xf32>
    %get3A = arith.constant 0 : index
    %get3A_1 = arith.constant 0 : index
    %get3A_2 = vector.load %arg1[%get3A, %get3A_1] : memref<256x3000xf32, #tpu.memory_space<vmem>>, vector<256x1000xf32>
    %convert_element_type3A = arith.truncf %get3A_2 : vector<256x1000xf32> to vector<256x1000xbf16>
    %get3A_3 = arith.constant 0 : index
    %get3A_4 = arith.constant 0 : index
    %get3A_5 = arith.constant 0 : index
    %get3A_6 = vector.load %arg2[%get3A_3, %get3A_4, %get3A_5] : memref<3x1000x1000xbf16, #tpu.memory_space<vmem>>, vector<1x1000x1000xbf16>
    %get3A_7 = vector.shape_cast %get3A_6 : vector<1x1000x1000xbf16> to vector<1000x1000xbf16>
    %dot_general3A = arith.constant dense<0.000000e+00> : vector<256x1000xf32>
    %dot_general3A_8 = tpu.matmul %convert_element_type3A, %get3A_7, %dot_general3A {dimension_numbers = #tpu.dot_dimension_numbers<[1], [1], [0], [0], [0, 0, 1, 0], [], []>, transpose_lhs_hint = false} : vector<256x1000xbf16>, vector<1000x1000xbf16>, vector<256x1000xf32> -> vector<256x1000xf32>
    %add3A = arith.addf %broadcast_in_dim3A_0, %dot_general3A_8 : vector<256x1000xf32>
    %get3A_9 = arith.constant 0 : index
    %get3A_10 = arith.constant 1000 : index
    %get3A_11 = vector.load %arg1[%get3A_9, %get3A_10] : memref<256x3000xf32, #tpu.memory_space<vmem>>, vector<256x1000xf32>
    %convert_element_type3A_12 = arith.truncf %get3A_11 : vector<256x1000xf32> to vector<256x1000xbf16>
    %get3A_13 = arith.constant 1 : index
    %get3A_14 = arith.constant 0 : index
    %get3A_15 = arith.constant 0 : index
    %get3A_16 = vector.load %arg2[%get3A_13, %get3A_14, %get3A_15] : memref<3x1000x1000xbf16, #tpu.memory_space<vmem>>, vector<1x1000x1000xbf16>
    %get3A_17 = vector.shape_cast %get3A_16 : vector<1x1000x1000xbf16> to vector<1000x1000xbf16>
    %dot_general3A_18 = arith.constant dense<0.000000e+00> : vector<256x1000xf32>
    %dot_general3A_19 = tpu.matmul %convert_element_type3A_12, %get3A_17, %dot_general3A_18 {dimension_numbers = #tpu.dot_dimension_numbers<[1], [1], [0], [0], [0, 0, 1, 0], [], []>, transpose_lhs_hint = false} : vector<256x1000xbf16>, vector<1000x1000xbf16>, vector<256x1000xf32> -> vector<256x1000xf32>
    %add3A_20 = arith.addf %add3A, %dot_general3A_19 : vector<256x1000xf32>
    %get3A_21 = arith.constant 0 : index
    %get3A_22 = arith.constant 2000 : index
    %get3A_23 = vector.load %arg1[%get3A_21, %get3A_22] : memref<256x3000xf32, #tpu.memory_space<vmem>>, vector<256x1000xf32>
    %convert_element_type3A_24 = arith.truncf %get3A_23 : vector<256x1000xf32> to vector<256x1000xbf16>
    %get3A_25 = arith.constant 2 : index
    %get3A_26 = arith.constant 0 : index
    %get3A_27 = arith.constant 0 : index
    %get3A_28 = vector.load %arg2[%get3A_25, %get3A_26, %get3A_27] : memref<3x1000x1000xbf16, #tpu.memory_space<vmem>>, vector<1x1000x1000xbf16>
    %get3A_29 = vector.shape_cast %get3A_28 : vector<1x1000x1000xbf16> to vector<1000x1000xbf16>
    %dot_general3A_30 = arith.constant dense<0.000000e+00> : vector<256x1000xf32>
    %dot_general3A_31 = tpu.matmul %convert_element_type3A_24, %get3A_29, %dot_general3A_30 {dimension_numbers = #tpu.dot_dimension_numbers<[1], [1], [0], [0], [0, 0, 1, 0], [], []>, transpose_lhs_hint = false} : vector<256x1000xbf16>, vector<1000x1000xbf16>, vector<256x1000xf32> -> vector<256x1000xf32>
    %add3A_32 = arith.addf %add3A_20, %dot_general3A_31 : vector<256x1000xf32>
    %swap3A = arith.constant 0 : index
    %swap3A_33 = arith.constant 0 : index
    %swap3A_34 = vector.load %arg3[%swap3A, %swap3A_33] : memref<256x1000xf32, #tpu.memory_space<vmem>>, vector<256x1000xf32>
    tpu.vector_store %arg3[%swap3A, %swap3A_33], %add3A_32 {strides = array<i32>} : memref<256x1000xf32, #tpu.memory_space<vmem>>, vector<256x1000xf32>,
    return
  }
  func.func @transform_0(%arg0: i32) -> (i32, i32) {
    %c0_i32 = arith.constant 0 : i32
    %c0_i32_0 = arith.constant 0 : i32
    return %arg0, %c0_i32 : i32, i32
  }
  func.func @transform_1(%arg0: i32) -> (i32, i32, i32) {
    %c0_i32 = arith.constant 0 : i32
    %c0_i32_0 = arith.constant 0 : i32
    %c0_i32_1 = arith.constant 0 : i32
    %c0_i32_2 = arith.constant 0 : i32
    return %c0_i32, %c0_i32_0, %c0_i32_1 : i32, i32, i32
  }
  func.func @transform_2(%arg0: i32) -> (i32, i32) {
    %c0_i32 = arith.constant 0 : i32
    %c0_i32_0 = arith.constant 0 : i32
    return %arg0, %c0_i32 : i32, i32
  }
}

</mosaic_0001>

<sc_bundles>
// kernel: kernel.4.cloned.1.call-start
scs
__scs_entry_jumppad:
0x0: {  	(pc) =	sbr.rel $0x88, $3  }
0x1: {  	(tag) =	ssettag $0x0;
	lr =	simm.s32 $0x1  }
0x2: {  	[smem:$0x3F9C] =	sst lr;
	_ =	strace $0xD0000000  }
0x3: {  	_ = 	snop  }
0x4: {  	_ = 	snop  }
0x5: {  	_ = 	snop  }
0x6: {  	_ = 	snop  }
0x7: {  	_ = 	snop  }
__scs_overlays_trampoline_lowered:
0x8: {  	[smem:$0x3FAB] =	sst s0  }
0x9: {  	[smem:$0x3FAC] =	sst s1  }
0xa: {  	[smem:$0x3FAD] =	sst s2  }
0xb: {  	[smem:$0x3FAE] =	sst s3  }
0xc: {  	[smem:$0x3FAF] =	sst s4  }
0xd: {  	[smem:$0x3FB0] =	sst s5  }
0xe: {  	[smem:$0x3FB1] =	sst s6  }
0xf: {  	[smem:$0x3FB2] =	sst s7  }
0x10: {  	[smem:$0x3FB3] =	sst s8  }
0x11: {  	[smem:$0x3FB4] =	sst s9;
	s0 =	simm.s32 @!p0 $0x0  }
0x12: {  	s1 =	sld [smem:$0x3F9A];
	s0 =	simm.s32 @p0 $0x1  }
0x13: {  	[smem:$0x3FB5] =	sst s0;
	s0 =	simm.s32 @!p1 $0x0  }
0x14: {  	s2 =	sld [smem:$0x3F99];
	s0 =	simm.s32 @p1 $0x1  }
0x15: {  	[smem:$0x3FB6] =	sst s0;
	s0 =	simm.s32 @!p2 $0x0  }
0x16: {  	s3 =	sld [smem:$0x3FDB];
	s0 =	simm.s32 @p2 $0x1  }
0x17: {  	s4 =	simm.s32 $0x1BF5;
	[smem:$0x3FB8] =	sst s0  }
0x18: {  	s0 =	sld [smem:$0x3F9B];
	_ =	swait.ge [sflag:s4], $0x0  }
0x19: {  	s7 =	sld [smem:$0x3F9C]  }
0x1a: {  	s8 =	sadd.s32 $0xFFFFE003, lr  }
0x1b: {  	s9 =	sadd.s32 $0xFFFFFEF7, lr;
	s5 =	simm.s32 $0xFFFFFFFF;
	p2 =	slt.u32 s8, $0xFFFFF086  }
0x1c: {  	p1 =	slt.u32 s9, $0xF7A;
	s5 =	simm.s32 @!p2 $0x0  }
0x1d: {  	s5 =	simm.s32 @p1 $0x1;
	p0 =	seq.s32 s7, s2  }
0x1e: {  	s7 =	smul.u32 @!p0 $0xF7A, s2;
	p2 =	seq.s32 @!p0 s5, $0x0  }
0x1f: {  	s9 =	smul.u32 $0xF7A, s1;
	s8 =	simm.s32 @!p0 $0x1BF5;
	p2 =	por !p2, p0  }
0x20: {  	[sflag:s8] =	ssyncset.s32 @!p0 $0xFFFFF086;
	s6 =	sadd.s32 @!p0 s3, s7;
	s7 =	simm.s32 @!p0 $0x108  }
0x21: {  	s3 =	sadd.s32 s3, s9;
	s6 =	sadd.s32 @!p0 $0x88, s6;
	s7 =	simm.s32 @p2 $0x1082  }
0x22: {  	[simem:s7], [sflag:s8] =	dma.local @!p0 [hbm:s6], $0xF7A  }
0x23: {  	s9 =	sor.u32 $0xD0000000, s2;
	s6 =	simm.s32 $0x108;
	_ =	swait.ge @!p0 [sflag:s8], $0x0  }
0x24: {  	s3 =	sadd.s32 $0x88, s3;
	s6 =	simm.s32 @!p1 $0x1082;
	[sflag:s4] =	ssyncset.s32 $0xFFFFF086  }
0x25: {  	[simem:s6], [sflag:s4] =	dma.local [hbm:s3], $0xF7A  }
0x26: {  	[smem:$0x3F9C] =	sst s1;
	(tag) =	ssettag s2;
	_ =	strace s9  }
0x27: {  	s1 =	sld [smem:$0x3FAC]  }
0x28: {  	s2 =	sld [smem:$0x3FAD]  }
0x29: {  	s4 =	sld [smem:$0x3FAF]  }
0x2a: {  	p0 =	seq.s32 s5, $0x0;
	s5 =	sld [smem:$0x3FB0]  }
0x2b: {  	s6 =	sld [smem:$0x3FB1]  }
0x2c: {  	s7 =	sld [smem:$0x3FB2]  }
0x2d: {  	s3 =	simm.s32 $0x108;
	s8 =	sld [smem:$0x3FB3]  }
0x2e: {  	s3 =	simm.s32 @!p0 $0x1082;
	s9 =	sld [smem:$0x3FB4]  }
0x2f: {  	lr =	sadd.s32 s0, s3;
	s0 =	sld [smem:$0x3FAB]  }
0x30: {  	s3 =	sld [smem:$0x3FAE]  }
0x31: {  	[smem:$0x3FB7] =	sst s10  }
0x32: {  	s10 =	sld [smem:$0x3FB5];
	_ =	sdelay $0x3  }
0x33: {  	p0 =	seq.s32 s10, $0x1;
	s10 =	sld [smem:$0x3FB7];
	_ =	sdelay $0x3  }
0x34: {  	[smem:$0x3FB7] =	sst s10  }
0x35: {  	s10 =	sld [smem:$0x3FB6];
	_ =	sdelay $0x3  }
0x36: {  	p1 =	seq.s32 s10, $0x1;
	s10 =	sld [smem:$0x3FB7];
	_ =	sdelay $0x3  }
0x37: {  	[smem:$0x3FB7] =	sst s10  }
0x38: {  	s10 =	sld [smem:$0x3FB8]  }
0x39: {  	_ = 	snop;
	(pc) =	sbr.ind lr, $3  }
0x3a: {  	_ = 	snop  }
0x3b: {  	_ = 	snop  }
0x3c: {  	p2 =	seq.s32 s10, $0x1;
	s10 =	sld [smem:$0x3FB7]  }
0x3d: {  	_ =	shalt  }
0x3e: {  	_ =	shalt  }
0x3f: {  	_ =	shalt  }
0x40: {  	_ =	shalt  }
0x41: {  	_ =	shalt  }
0x42: {  	_ =	shalt  }
0x43: {  	_ =	shalt  }
0x44: {  	_ =	shalt  }
0x45: {  	_ =	shalt  }
0x46: {  	_ =	shalt  }
0x47: {  	_ =	shalt  }
0x48: {  	_ =	shalt  }
0x49: {  	_ =	shalt  }
0x4a: {  	_ =	shalt  }
0x4b: {  	_ =	shalt  }
0x4c: {  	_ =	shalt  }
0x4d: {  	_ =	shalt  }
0x4e: {  	_ =	shalt  }
0x4f: {  	_ =	shalt  }
0x50: {  	_ =	shalt  }
0x51: {  	_ =	shalt  }
0x52: {  	_ =	shalt  }
0x53: {  	_ =	shalt  }
0x54: {  	_ =	shalt  }
0x55: {  	_ =	shalt  }
0x56: {  	_ =	shalt  }
0x57: {  	_ =	shalt  }
0x58: {  	_ =	shalt  }
0x59: {  	_ =	shalt  }
0x5a: {  	_ =	shalt  }
0x5b: {  	_ =	shalt  }
0x5c: {  	_ =	shalt  }
0x5d: {  	_ =	shalt  }
0x5e: {  	_ =	shalt  }
0x5f: {  	_ =	shalt  }
0x60: {  	_ =	shalt  }
0x61: {  	_ =	shalt  }
0x62: {  	_ =	shalt  }
0x63: {  	_ =	shalt  }
0x64: {  	_ =	shalt  }
0x65: {  	_ =	shalt  }
0x66: {  	_ =	shalt  }
0x67: {  	_ =	shalt  }
0x68: {  	_ =	shalt  }
0x69: {  	_ =	shalt  }
0x6a: {  	_ =	shalt  }
0x6b: {  	_ =	shalt  }
0x6c: {  	_ =	shalt  }
0x6d: {  	_ =	shalt  }
0x6e: {  	_ =	shalt  }
0x6f: {  	_ =	shalt  }
0x70: {  	_ =	shalt  }
0x71: {  	_ =	shalt  }
0x72: {  	_ =	shalt  }
0x73: {  	_ =	shalt  }
0x74: {  	_ =	shalt  }
0x75: {  	_ =	shalt  }
0x76: {  	_ =	shalt  }
0x77: {  	_ =	shalt  }
0x78: {  	_ =	shalt  }
0x79: {  	_ =	shalt  }
0x7a: {  	_ =	shalt  }
0x7b: {  	_ =	shalt  }
0x7c: {  	_ =	shalt  }
0x7d: {  	_ =	shalt  }
0x7e: {  	_ =	shalt  }
0x7f: {  	_ =	shalt  }
0x80: {  	_ =	shalt  }
0x81: {  	_ =	shalt  }
0x82: {  	_ =	shalt  }
0x83: {  	_ =	shalt  }
0x84: {  	_ =	shalt  }
0x85: {  	_ =	shalt  }
0x86: {  	_ =	shalt  }
0x87: {  	_ =	shalt  }
.Lfunc_end0:
.L_simem_size_0:
called_computation_lowered:
.L_overlay_start_0:
0x88: {  	s2 =	sld [smem:$0x3FD9]  }
0x89: {  	s3 =	sld [smem:$0x3FFE];
	_ =	sdelay $0x1  }
0x8a: {  	s1 =	srdreg.scid  }
0x8b: {  	s0 =	sand.u32 $0x1, s1  }
0x8c: {  	s14 =	sshll.u32 s0, $0xA;
	s2 =	sadd.s32 s3, s2  }
0x8d: {  	s2 =	sadd.s32 s2, s14  }
0x8e: {  	[smem:$0x3FC3] =	sst s2  }
0x8f: {  	_ = 	snop  }
0x90: {  	s2 =	sld [smem:$0x3FD0];
	_ =	sdelay $0x1  }
0x91: {  	s15 =	sld [smem:$0x3FC9]  }
0x92: {  	s5 =	simm.s32 $0xA;
	s6 =	simm.s32 $0x10;
	s4 =	sld [smem:$0x3FC7]  }
0x93: {  	[smem:s6], [sflag:s5] =	dma.local [hbm:s2], $0x1  }
0x94: {  	_ =	swait.eq [sflag:s5], $0x1  }
0x95: {  	[sflag:s5] =	ssyncset.done $0x0  }
0x96: {  	s16 =	sld [smem:$0x10];
	[sflag:s5] =	ssyncadd.s32 $0xFFFFFFFF  }
0x97: {  	s17 =	sld [smem:$0x11];
	(tm) =	ssettm $0x1  }
0x98: {  	s18 =	sld [smem:$0x3FFB];
	_ =	sdelay $0x3  }
0x99: {  	_ =	strace s18  }
0x9a: {  	s6 =	sld [smem:$0x3FFC];
	_ =	sdelay $0x3  }
0x9b: {  	_ =	strace s6  }
0x9c: {  	s6 =	sld [smem:$0x3FFD];
	_ =	sdelay $0x3  }
0x9d: {  	_ =	strace s6  }
0x9e: {  	_ =	strace $0x8FFFFFFF  }
0x9f: {  	s19 =	sld [smem:$0x3FDB];
	_ =	sdelay $0x1  }
0xa0: {  	s7 =	simm.s32 $_scs_section_size  }
0xa1: {  	s8 =	simm.s32 $_size__tile_overlayer_lowered;
	s9 =	simm.s32 $_tile_overlayer_lowered  }
0xa2: {  	s22 =	simm.s32 $0x1BFF;
	s21 =	sshll.u32 s9, $0x1;
	s6 =	sadd.s32 s7, s19  }
0xa3: {  	s10 =	simm.s32 $0x0;
	s20 =	sshll.u32 s8, $0x1;
	s8 =	sadd.s32 s21, s6  }
0xa4: {  	[timem:s10], [sflag:s22] =	dma.local [hbm:s8], s20  }
0xa5: {  	_ =	swait.ge [sflag:s22], s20  }
0xa6: {  	s7 =	ssub.s32 $0x0, s20;
	[sflag:s22] =	ssyncset.done $0x0  }
0xa7: {  	[sflag:s22] =	ssyncadd.s32 s7;
	_ =	sdelay $0x1  }
0xa8: {  	s23 =	simm.s32 $0x1B8B  }
0xa9: {  	_ =	swait.ge [sflag:s23], $0x1  }
0xaa: {  	[sflag:s23] =	ssyncset.done $0x0  }
0xab: {  	s25 =	simm.s32 $0x1B8E;
	s24 =	sld [smem:$0x3FFE];
	[sflag:s23] =	ssyncadd.s32 $0xFFFFFFFF  }
0xac: {  	s26 =	simm.s32 $execute0_lowered;
	[smem:$0x3FD2] =	sst s25  }
0xad: {  	s8 =	sshll.u32 s26, $0x1;
	_ =	strace $0x80000046;
	[dreg:$0x1] =	wrdreg $0xFFFFFFFF  }
0xae: {  	s28 =	simm.s32 $_size_execute0_lowered;
	s6 =	sadd.s32 s6, s8;
	[dreg:$0x0] =	wrdreg $0x0  }
0xaf: {  	s8 =	sshll.u32 s28, $0x1;
	[dreg:$0x2] =	wrdreg s6  }
0xb0: {  	[dreg:$0x3] =	wrdreg s8  }
0xb1: {  	[dreg:$0x4] =	wrdreg $0xC0  }
0xb2: {  	_ =	task [dreg:s10], $0x5FFFF  }
0xb3: {  	[dreg:$0x1] =	wrdreg $0xFFFFFFFF  }
0xb4: {  	[dreg:$0x0] =	wrdreg $0x60  }
0xb5: {  	[dreg:$0x2] =	wrdreg s17  }
0xb6: {  	[dreg:$0x3] =	wrdreg s24  }
0xb7: {  	[dreg:$0x4] =	wrdreg s4  }
0xb8: {  	[dreg:$0x5] =	wrdreg s15  }
0xb9: {  	[dreg:$0x6] =	wrdreg s16  }
0xba: {  	[dreg:$0x7] =	wrdreg $0x9  }
0xbb: {  	_ =	task.clear_ibuf [dreg:s10], $0x8FFFF;
	_ =	strace $0x90000046  }
0xbc: {  	s29 =	simm.s32 $0x9;
	_ =	strace $0x80000048  }
0xbd: {  	_ =	swait.ge [sflag:s29], $0x1  }
0xbe: {  	[sflag:s29] =	ssyncadd.s32 $0xFFFFFFFF  }
0xbf: {  	_ =	strace $0x90000048  }
0xc0: {  	_ =	sfence  }
0xc1: {  	s30 =	sld [smem:$0x0];
	_ =	sdelay $0x2  }
0xc2: {  	s31 =	sshll.u32 s1, $0xD;
	s1 =	sshrl.u32 s1, $0x2  }
0xc3: {  	s3 =	sand.u32 $0x4000, s31;
	s1 =	sadd.s32 s1, s30  }
0xc4: {  	s0 =	sor.u32 s3, s0;
	s1 =	sshll.u32 s1, $0x11  }
0xc5: {  	s0 =	sor.u32 s1, s0  }
0xc6: {  	s0 =	sadd.s32 $0x8F2B, s0  }
0xc7: {  	[sflag:s0] =	ssyncadd.remote.s32 $0x1  }
0xc8: {  	_ =	sfence.sel $0xFFFF  }
0xc9: {  	[dreg:$0x0] =	wrdreg $0xFFFFFFFF;
	(pc) =	sbr.abs _section_cstart, $3  }
0xca: {  	[dreg:$0x1] =	wrdreg $0xFFFFFFFF  }
0xcb: {  	_ =	task.clear_ibuf [dreg:s10], $0x2FFFF;
	_ =	strace $0x9FFFFFFF  }
0xcc: {  	(tm) =	ssettm $0x7FFFFFFF  }
0xcd: {  	_ =	shalt  }
tec
execute0_lowered:
.L_overlay_start_1:
0x0: {  	(tag) =	ssettag $0x1  }
0x1: {  	s0 =	rddreg [dreg:$0x0]  }
0x2: {  	s1 =	rddreg [dreg:$0x1]  }
0x3: {  	s10 =	rddreg [dreg:$0x2]  }
0x4: {  	s11 =	rddreg [dreg:$0x3]  }
0x5: {  	s14 =	rddreg [dreg:$0x4];
	s2 =	simm.s32 $0x0;
	s3 =	srdreg.scid  }
0x6: {  	s4 =	stileid.u32;
	s19 =	simm.s32 $0xC80;
	s20 =	simm.s32 $0x2580  }
0x7: {  	s21 =	simm.s32 $0x3210;
	s22 =	simm.s32 $0x3230;
	s23 =	simm.s32 $0x1  }
0x8: {  	s24 =	simm.s32 $0x30;
	s25 =	simm.s32 $0x3240;
	s28 =	simm.s32 $0x2  }
0x9: {  	s29 =	simm.s32 $0xEDF0;
	s30 =	simm.s32 $0x3;
	s31 =	simm.s32 $0x1A970  }
0xa: {  	[smem:$0x7FF] =	sst s2;
	s3 =	sand.u32 $0x1, s3;
	s4 =	sshll.u32 s4, $0x1  }
0xb: {  	s9 =	sadd.s32 $0x5D200, s1;
	_ =	strace $0x80000047;
	s5 =	ssub.s32 $0x2, s3  }
0xc: {  	s7 =	sor.u32 s3, s4;
	s3 =	sadd.s32 $0x1800, s1;
	s1 =	sadd.s32 $0x63600, s1  }
0xd: {  	s26 =	sshrl.u32 s5, $0x1;
	s6 =	smul.u32 $0x320, s7;
	s8 =	sshllo.u32 s7, $0x1  }
0xe: {  	s16 =	sshll.u32 s7, $0x2;
	s13 =	smul.u32 $0x2EE0, s7;
	s15 =	ssub.s32 s5, s26  }
0xf: {  	s12 =	smul.u32 $0x190, s8;
	s7 =	sadd.s32 s11, s16;
	s17 =	sshll.u32 s8, $0x1  }
0x10: {  	v1 =	vlaneseq.u32;
	s18 =	smul.u32 $0x1770, s8;
	s14 =	sadd.s32 s14, s16;
	s26 =	simm.s32 $0x3270  }
0x11: {  	v0 =	vmul.u32 $0x3E8, v1;
	s4 =	sadd.s32 s0, s6;
	s5 =	sadd.s32 s9, s6;
	s6 =	sadd.s32 s10, s16  }
0x12: {  	v1 =	vmul.u32 $0xBB8, v1;
	s10 =	sadd.s32 s10, s17;
	s11 =	sadd.s32 s11, s17;
	s15 =	smax.u32 s15, $0x1  }
0x13: {  	v2 =	vimm.f32 $0.0e+00;
	v3 =	vadd.s32 $0x3E80, v0;
	s8 =	sadd.s32 s0, s12;
	s9 =	sadd.s32 s9, s12;
	s12 =	sadd.s32 s1, s13  }
0x14: {  	v4 =	vadd.s32 $0x3E8, v1;
	v5 =	vadd.s32 $0x7D00, v0;
	v6 =	vadd.s32 $0x7D0, v1;
	s13 =	sadd.s32 s1, s18;
	s18 =	simm.s32 $0x3220;
	s0 =	simm.s32 $0x0  }
.LBB2_1:
0x15: {  	[tilespmem:s2], [sflag:$0x1] =	stream.linear.gather [hbm4b:s4+s2], $0xC80, $0x38;
	[tilespmem:$0x1A990] =	vst v63  }
0x16: {  	s1 =	simm.s32 $0x1900  }
0x17: {  	[tilespmem:s1], [sflag:$0x1] =	stream.linear.gather [hbm4b:s5+s2], $0xC80, $0x38;
	[tilespmem:$0x1A990] =	vst v63  }
0x18: {  	s17 =	simm.s32 $0x3200  }
0x19: {  	[tilespmem:s17], [sflag:$0x1] =	stream.linear.gather [hbm4b:s6+s2], $0x10, $0x38;
	[tilespmem:$0x1A990] =	vst v63  }
0x1a: {  	_ = 	snop  }
0x1b: {  	[tilespmem:s18], [sflag:$0x1] =	stream.linear.gather [hbm4b:s7+s2], $0x10, $0x38;
	[tilespmem:$0x1A990] =	vst v63  }
0x1c: {  	_ = 	snop  }
0x1d: {  	[tilespmem:s19], [sflag:$0x1] =	stream.linear.gather [hbm4b:s8+s2], $0xC80, $0x38;
	[tilespmem:$0x1A990] =	vst v63  }
0x1e: {  	_ = 	snop  }
0x1f: {  	[tilespmem:s20], [sflag:$0x1] =	stream.linear.gather [hbm4b:s9+s2], $0xC80, $0x38;
	[tilespmem:$0x1A990] =	vst v63  }
0x20: {  	_ = 	snop  }
0x21: {  	[tilespmem:s21], [sflag:$0x1] =	stream.linear.gather [hbm4b:s10+s2], $0x10, $0x38;
	[tilespmem:$0x1A990] =	vst v63  }
0x22: {  	_ = 	snop  }
0x23: {  	[tilespmem:s22], [sflag:$0x1] =	stream.linear.gather [hbm4b:s11+s2], $0x10, $0x38;
	[tilespmem:$0x1A990] =	vst v63  }
0x24: {  	_ =	swait.ge [sflag:s23], $0xC80  }
0x25: {  	[sflag:s23] =	ssyncset.done $0x0  }
0x26: {  	[sflag:s23] =	ssyncadd.s32 $0xFFFFF380  }
0x27: {  	_ =	swait.ge [sflag:s23], $0xC80  }
0x28: {  	[sflag:s23] =	ssyncset.done $0x0  }
0x29: {  	[sflag:s23] =	ssyncadd.s32 $0xFFFFF380  }
0x2a: {  	_ =	swait.ge [sflag:s23], $0x10  }
0x2b: {  	[sflag:s23] =	ssyncset.done $0x0  }
0x2c: {  	[sflag:s23] =	ssyncadd.s32 $0xFFFFFFF0  }
0x2d: {  	_ =	swait.ge [sflag:s23], $0x10  }
0x2e: {  	[sflag:s23] =	ssyncset.done $0x0  }
0x2f: {  	[sflag:s23] =	ssyncadd.s32 $0xFFFFFFF0  }
0x30: {  	v7 =	vld [tilespmem:$0x3220];
	_ =	sdelay $0x4  }
0x31: {  	[tilespmem:$0x3240] =	vst v7;
	v8 =	vadd.s32 $0x3E8, v7  }
0x32: {  	v7 =	vadd.s32 $0x7D0, v7;
	[tilespmem:$0x3250] =	vst v8  }
0x33: {  	s16 =	simm.s32 $0x600;
	s1 =	simm.s32 $0x0;
	[tilespmem:$0x3260] =	vst v7  }
0x34: {  	[tilespmem:s26], [sflag:$0x2] =	stream.indirect.gather [hbm4b:s3+s24], $0x3E8, s25, s24, $0xb8;
	[tilespmem:$0x1A990] =	vst v63  }
.LBB2_2:
0x35: {  	p0 =	sne.s32 s16, $0x2E800;
	[tilespmem:s1+$0xEF60] =	vst v2  }
0x36: {  	[tilespmem:s1+$0xEDF0] =	vst v2  }
0x37: {  	[tilespmem:s1+$0xEE00] =	vst v2  }
0x38: {  	[tilespmem:s1+$0xEE10] =	vst v2  }
0x39: {  	[tilespmem:s1+$0xEE20] =	vst v2  }
0x3a: {  	[tilespmem:s1+$0xEE30] =	vst v2  }
0x3b: {  	[tilespmem:s1+$0xEE40] =	vst v2  }
0x3c: {  	[tilespmem:s1+$0xEE50] =	vst v2  }
0x3d: {  	[tilespmem:s1+$0xEE60] =	vst v2  }
0x3e: {  	[tilespmem:s1+$0xEE70] =	vst v2  }
0x3f: {  	[tilespmem:s1+$0xEE80] =	vst v2  }
0x40: {  	[tilespmem:s1+$0xEE90] =	vst v2  }
0x41: {  	[tilespmem:s1+$0xEEA0] =	vst v2  }
0x42: {  	[tilespmem:s1+$0xEEB0] =	vst v2  }
0x43: {  	[tilespmem:s1+$0xEEC0] =	vst v2  }
0x44: {  	[tilespmem:s1+$0xEED0] =	vst v2  }
0x45: {  	[tilespmem:s1+$0xEEE0] =	vst v2  }
0x46: {  	[tilespmem:s1+$0xEEF0] =	vst v2  }
0x47: {  	[tilespmem:s1+$0xEF00] =	vst v2  }
.Ltmp0:
0x48: {  	[tilespmem:s1+$0xEF10] =	vst v2;
	(pc) =	sbr.rel @p0 .LBB2_2-.Ltmp0, $4  }
0x49: {  	[tilespmem:s1+$0xEF20] =	vst v2  }
0x4a: {  	[tilespmem:s1+$0xEF30] =	vst v2  }
0x4b: {  	[tilespmem:s1+$0xEF40] =	vst v2  }
0x4c: {  	[tilespmem:s1+$0xEF50] =	vst v2;
	s1 =	sshra.s32 s16, $0x2;
	s16 =	sadd.s32 $0x600, s16  }
0x4d: {  	[tilespmem:s1+$0xEF60] =	vst v2  }
0x4e: {  	[tilespmem:s1+$0xEDF0] =	vst v2  }
0x4f: {  	[tilespmem:s1+$0xEE00] =	vst v2  }
0x50: {  	[tilespmem:s1+$0xEE10] =	vst v2  }
0x51: {  	[tilespmem:s1+$0xEE20] =	vst v2  }
0x52: {  	[tilespmem:s1+$0xEE30] =	vst v2  }
0x53: {  	[tilespmem:s1+$0xEE40] =	vst v2  }
0x54: {  	[tilespmem:s1+$0xEE50] =	vst v2  }
0x55: {  	[tilespmem:s1+$0xEE60] =	vst v2  }
0x56: {  	[tilespmem:s1+$0xEE70] =	vst v2  }
0x57: {  	[tilespmem:s1+$0xEE80] =	vst v2  }
0x58: {  	[tilespmem:s1+$0xEE90] =	vst v2  }
0x59: {  	[tilespmem:s1+$0xEEA0] =	vst v2  }
0x5a: {  	[tilespmem:s1+$0xEEB0] =	vst v2  }
0x5b: {  	[tilespmem:s1+$0xEEC0] =	vst v2  }
0x5c: {  	[tilespmem:s1+$0xEED0] =	vst v2  }
0x5d: {  	[tilespmem:s1+$0xEEE0] =	vst v2  }
0x5e: {  	[tilespmem:s1+$0xEEF0] =	vst v2  }
0x5f: {  	[tilespmem:s1+$0xEF00] =	vst v2  }
0x60: {  	[tilespmem:s1+$0xEF10] =	vst v2  }
0x61: {  	[tilespmem:s1+$0xEF20] =	vst v2  }
0x62: {  	[tilespmem:s1+$0xEF30] =	vst v2  }
0x63: {  	[tilespmem:s1+$0xEF40] =	vst v2  }
0x64: {  	[tilespmem:s1+$0xEF50] =	vst v2  }
0x65: {  	_ =	swait.ge [sflag:s28], $0xBB80  }
0x66: {  	[sflag:s28] =	ssyncset.done $0x0  }
0x67: {  	[sflag:s28] =	ssyncadd.s32 $0xFFFF4480  }
0x68: {  	v7 =	vld [tilespmem:$0x3200]  }
0x69: {  	s17 =	simm.s32 $0x0;
	v10 =	vld [tilespmem:$0xC70]  }
0x6a: {  	v8 =	vld [tilespmem:s17+$0x0];
	_ =	sdelay $0x3  }
0x6b: {  	v7 =	vsub.f32 v7, v10  }
0x6c: {  	v8 =	vsub.f32 v10, v8  }
0x6d: {  	v7 =	vmul.f32 $-5.000000000e-01, v7  }
0x6e: {  	v8 =	vmul.f32 $-5.000000000e-01, v8  }
0x6f: {  	v7 =	vmul.f32 $1.442695020e+00, v7  }
0x70: {  	v8 =	vmul.f32 $1.442695020e+00, v8  }
0x71: {  	(erf) = vpow2.f32 v7  }
0x72: {  	(erf) = vpow2.f32 v8;
	_ =	sdelay $0x2  }
0x73: {  	v11 =	vld [tilespmem:s17+$0x1900];
	_ =	sdelay $0x4  }
0x74: {  	v12 =	vadd.s32 v0, v11;
	v9 =	vpop (erf)  }
0x75: {  	v13 =	vadd.s32 v1, v11;
	v8 =	vmul.f32 v9, v9;
	v14 =	vpop (erf)  }
0x76: {  	v17 =	vadd.s32 v3, v11;
	v15 =	vmul.f32 v14, v14;
	v16 =	vmul.f32 v14, v9  }
0x77: {  	v18 =	vadd.s32 v4, v11;
	v19 =	vadd.s32 v5, v11;
	v7 =	vmul.f32 v8, v8  }
0x78: {  	v20 =	vmul.f32 v15, v15;
	v21 =	vmul.f32 v15, v8;
	v14 =	vsub.f32 v14, v16  }
0x79: {  	v11 =	vadd.s32 v6, v11;
	v12 =	vld.idx.msk [tilespmem:v12+s26+$0x0], $0xffff  }
0x7a: {  	v22 =	vmul.f32 v20, v7;
	[tilespmem:v13+s29+$0x0] =	vst.idx.add.f32.msk $0xffff, v14;
	v13 =	vsub.f32 v15, v21  }
0x7b: {  	v14 =	vld.idx.msk [tilespmem:v17+s26+$0x0], $0xffff  }
0x7c: {  	[tilespmem:v18+s29+$0x0] =	vst.idx.add.f32.msk $0xffff, v13;
	v13 =	vsub.f32 v20, v22  }
0x7d: {  	v15 =	vld.idx.msk [tilespmem:v19+s26+$0x0], $0xffff  }
0x7e: {  	[tilespmem:v11+s29+$0x0] =	vst.idx.add.f32.msk $0xffff, v13  }
0x7f: {  	v11 =	vld [tilespmem:s17+$0x10];
	_ =	sdelay $0x4  }
0x80: {  	v11 =	vsub.f32 v10, v11;
	_ =	sdelay $0x1  }
0x81: {  	v11 =	vmul.f32 $-5.000000000e-01, v11;
	_ =	sdelay $0x1  }
0x82: {  	v11 =	vmul.f32 $1.442695020e+00, v11;
	_ =	sdelay $0x1  }
0x83: {  	(erf) = vpow2.f32 v11;
	_ =	sdelay $0x2  }
0x84: {  	v11 =	vld [tilespmem:s17+$0x1910];
	_ =	sdelay $0x4  }
0x85: {  	v13 =	vadd.s32 v0, v11  }
0x86: {  	v37 =	vadd.s32 v1, v11;
	v38 =	vpop (erf)  }
0x87: {  	v23 =	vadd.s32 v3, v11;
	v39 =	vmul.f32 v38, v38;
	v40 =	vmul.f32 v38, v9  }
0x88: {  	v24 =	vadd.s32 v4, v11;
	v25 =	vadd.s32 v5, v11  }
0x89: {  	v26 =	vmul.f32 v39, v39;
	v27 =	vmul.f32 v39, v8;
	v18 =	vsub.f32 v38, v40  }
0x8a: {  	v11 =	vadd.s32 v6, v11;
	v13 =	vld.idx.msk [tilespmem:v13+s26+$0x0], $0xffff  }
0x8b: {  	v28 =	vmul.f32 v26, v7;
	[tilespmem:v37+s29+$0x0] =	vst.idx.add.f32.msk $0xffff, v18;
	v41 =	vsub.f32 v39, v27  }
0x8c: {  	v18 =	vld.idx.msk [tilespmem:v23+s26+$0x0], $0xffff  }
0x8d: {  	[tilespmem:v24+s29+$0x0] =	vst.idx.add.f32.msk $0xffff, v41;
	v42 =	vsub.f32 v26, v28  }
0x8e: {  	v43 =	vld.idx.msk [tilespmem:v25+s26+$0x0], $0xffff  }
0x8f: {  	[tilespmem:v11+s29+$0x0] =	vst.idx.add.f32.msk $0xffff, v42  }
0x90: {  	v11 =	vld [tilespmem:s17+$0x20];
	_ =	sdelay $0x4  }
0x91: {  	v11 =	vsub.f32 v10, v11;
	_ =	sdelay $0x1  }
0x92: {  	v11 =	vmul.f32 $-5.000000000e-01, v11;
	_ =	sdelay $0x1  }
0x93: {  	v11 =	vmul.f32 $1.442695020e+00, v11;
	_ =	sdelay $0x1  }
0x94: {  	(erf) = vpow2.f32 v11;
	_ =	sdelay $0x2  }
0x95: {  	v11 =	vld [tilespmem:s17+$0x1920];
	_ =	sdelay $0x4  }
0x96: {  	v44 =	vadd.s32 v0, v11  }
0x97: {  	v45 =	vadd.s32 v1, v11;
	v46 =	vpop (erf)  }
0x98: {  	v29 =	vadd.s32 v3, v11;
	v47 =	vmul.f32 v46, v46;
	v48 =	vmul.f32 v46, v9  }
0x99: {  	v30 =	vadd.s32 v4, v11;
	v31 =	vadd.s32 v5, v11  }
0x9a: {  	v32 =	vmul.f32 v47, v47;
	v33 =	vmul.f32 v47, v8;
	v24 =	vsub.f32 v46, v48  }
0x9b: {  	v11 =	vadd.s32 v6, v11;
	v17 =	vld.idx.msk [tilespmem:v44+s26+$0x0], $0xffff  }
0x9c: {  	[tilespmem:v45+s29+$0x0] =	vst.idx.add.f32.msk $0xffff, v24;
	v49 =	vmul.f32 v32, v7;
	v50 =	vsub.f32 v47, v33  }
0x9d: {  	v51 =	vld.idx.msk [tilespmem:v29+s26+$0x0], $0xffff  }
0x9e: {  	[tilespmem:v30+s29+$0x0] =	vst.idx.add.f32.msk $0xffff, v50;
	v52 =	vsub.f32 v32, v49  }
0x9f: {  	v53 =	vld.idx.msk [tilespmem:v31+s26+$0x0], $0xffff  }
0xa0: {  	[tilespmem:v11+s29+$0x0] =	vst.idx.add.f32.msk $0xffff, v52  }
0xa1: {  	v11 =	vld [tilespmem:s17+$0x30];
	_ =	sdelay $0x4  }
0xa2: {  	v11 =	vsub.f32 v10, v11;
	_ =	sdelay $0x1  }
0xa3: {  	v11 =	vmul.f32 $-5.000000000e-01, v11;
	_ =	sdelay $0x1  }
0xa4: {  	v16 =	vmul.f32 $5.000000000e-01, v16;
	v11 =	vmul.f32 $1.442695020e+00, v11;
	_ =	sdelay $0x1  }
0xa5: {  	v12 =	vmul.f32 v16, v12;
	(erf) = vpow2.f32 v11  }
0xa6: {  	v11 =	vimm.f32 $0.0e+00  }
0xa7: {  	v11 =	vadd.f32 v12, v11;
	v12 =	vmul.f32 v21, v14;
	v14 =	vadd.f32 v22, v22  }
0xa8: {  	v54 =	vld [tilespmem:s17+$0x1930]  }
0xa9: {  	v11 =	vadd.f32 v11, v12;
	v12 =	vmul.f32 v14, v15;
	v14 =	vmul.f32 $5.000000000e-01, v40;
	_ =	sdelay $0x1  }
0xaa: {  	v11 =	vadd.f32 v12, v11;
	v12 =	vmul.f32 v14, v13;
	_ =	sdelay $0x1  }
0xab: {  	v13 =	vadd.s32 v0, v54;
	v11 =	vadd.f32 v12, v11;
	v12 =	vmul.f32 v27, v18  }
0xac: {  	v15 =	vadd.s32 v1, v54;
	v14 =	vadd.f32 v28, v28;
	v55 =	vpop (erf)  }
0xad: {  	v11 =	vadd.f32 v11, v12;
	v12 =	vmul.f32 v55, v9  }
0xae: {  	v14 =	vmul.f32 v14, v43;
	v56 =	vmul.f32 v55, v55  }
0xaf: {  	v57 =	vadd.s32 v3, v54;
	v58 =	vadd.s32 v4, v54;
	v18 =	vsub.f32 v55, v12  }
0xb0: {  	v13 =	vld.idx.msk [tilespmem:v13+s26+$0x0], $0xffff;
	v11 =	vadd.f32 v14, v11;
	v14 =	vmul.f32 $5.000000000e-01, v48;
	v59 =	vmul.f32 v56, v8  }
0xb1: {  	v60 =	vmul.f32 v56, v56;
	[tilespmem:v15+s29+$0x0] =	vst.idx.add.f32.msk $0xffff, v18;
	v15 =	vadd.s32 v5, v54  }
0xb2: {  	v16 =	vadd.s32 v6, v54;
	v14 =	vmul.f32 v14, v17  }
0xb3: {  	v61 =	vsub.f32 v56, v59;
	v62 =	vmul.f32 v60, v7  }
0xb4: {  	v63 =	vadd.f32 v49, v49;
	v20 =	vld.idx.msk [tilespmem:v57+s26+$0x0], $0xffff;
	v11 =	vadd.f32 v14, v11;
	v14 =	vmul.f32 v33, v51  }
0xb5: {  	[tilespmem:v58+s29+$0x0] =	vst.idx.add.f32.msk $0xffff, v61;
	v18 =	vsub.f32 v60, v62  }
0xb6: {  	v12 =	vmul.f32 $5.000000000e-01, v12;
	v11 =	vadd.f32 v11, v14;
	v14 =	vmul.f32 v63, v53;
	v15 =	vld.idx.msk [tilespmem:v15+s26+$0x0], $0xffff  }
0xb7: {  	s1 =	simm.s32 $0x40;
	[tilespmem:v16+s29+$0x0] =	vst.idx.add.f32.msk $0xffff, v18  }
0xb8: {  	v12 =	vmul.f32 v12, v13;
	v11 =	vadd.f32 v14, v11;
	v16 =	vld [tilespmem:s1+$0x0];
	_ =	sdelay $0x1  }
0xb9: {  	v13 =	vadd.f32 v62, v62;
	v11 =	vadd.f32 v12, v11;
	v12 =	vmul.f32 v59, v20;
	_ =	sdelay $0x1  }
0xba: {  	v11 =	vadd.f32 v11, v12;
	v12 =	vmul.f32 v13, v15  }
0xbb: {  	s16 =	simm.s32 $0x200;
	v13 =	vsub.f32 v10, v16  }
.LBB2_4:
0xbc: {  	p0 =	sne.s32 s16, $0x3100;
	v11 =	vadd.f32 v12, v11;
	s17 =	smov.u32 s16;
	s16 =	sadd.s32 $0x100, s16  }
0xbd: {  	v12 =	vmul.f32 $-5.000000000e-01, v13;
	_ =	sdelay $0x1  }
0xbe: {  	v12 =	vmul.f32 $1.442695020e+00, v12;
	_ =	sdelay $0x1  }
0xbf: {  	(erf) = vpow2.f32 v12;
	_ =	sdelay $0x2  }
0xc0: {  	v12 =	vld [tilespmem:s1+$0x1900];
	_ =	sdelay $0x4  }
0xc1: {  	v13 =	vadd.s32 v0, v12  }
0xc2: {  	v14 =	vadd.s32 v1, v12;
	v15 =	vpop (erf)  }
0xc3: {  	v18 =	vadd.s32 v3, v12;
	v16 =	vmul.f32 v15, v15;
	v17 =	vmul.f32 v15, v9  }
0xc4: {  	v19 =	vadd.s32 v4, v12;
	v20 =	vadd.s32 v5, v12  }
0xc5: {  	v21 =	vmul.f32 v16, v16;
	v22 =	vmul.f32 v16, v8;
	v15 =	vsub.f32 v15, v17  }
0xc6: {  	v12 =	vadd.s32 v6, v12;
	v17 =	vmul.f32 $5.000000000e-01, v17;
	v13 =	vld.idx.msk [tilespmem:v13+s26+$0x0], $0xffff  }
0xc7: {  	v23 =	vmul.f32 v21, v7;
	[tilespmem:v14+s29+$0x0] =	vst.idx.add.f32.msk $0xffff, v15;
	v14 =	vsub.f32 v16, v22  }
0xc8: {  	v15 =	vld.idx.msk [tilespmem:v18+s26+$0x0], $0xffff  }
0xc9: {  	[tilespmem:v19+s29+$0x0] =	vst.idx.add.f32.msk $0xffff, v14;
	v14 =	vsub.f32 v21, v23  }
0xca: {  	v16 =	vld.idx.msk [tilespmem:v20+s26+$0x0], $0xffff  }
0xcb: {  	[tilespmem:v12+s29+$0x0] =	vst.idx.add.f32.msk $0xffff, v14  }
0xcc: {  	v12 =	vmul.f32 v17, v13;
	v13 =	vld [tilespmem:s1+$0x10];
	_ =	sdelay $0x1  }
0xcd: {  	v14 =	vadd.f32 v23, v23;
	v11 =	vadd.f32 v12, v11;
	v12 =	vmul.f32 v22, v15;
	_ =	sdelay $0x1  }
0xce: {  	v11 =	vadd.f32 v11, v12;
	v12 =	vmul.f32 v14, v16  }
0xcf: {  	v13 =	vsub.f32 v10, v13  }
0xd0: {  	v11 =	vadd.f32 v12, v11  }
0xd1: {  	v12 =	vmul.f32 $-5.000000000e-01, v13;
	_ =	sdelay $0x1  }
0xd2: {  	v12 =	vmul.f32 $1.442695020e+00, v12;
	_ =	sdelay $0x1  }
0xd3: {  	(erf) = vpow2.f32 v12;
	_ =	sdelay $0x2  }
0xd4: {  	v12 =	vld [tilespmem:s1+$0x1910];
	_ =	sdelay $0x4  }
0xd5: {  	v13 =	vadd.s32 v0, v12  }
0xd6: {  	v14 =	vadd.s32 v1, v12;
	v15 =	vpop (erf)  }
0xd7: {  	v18 =	vadd.s32 v3, v12;
	v16 =	vmul.f32 v15, v15;
	v17 =	vmul.f32 v15, v9  }
0xd8: {  	v19 =	vadd.s32 v4, v12;
	v20 =	vadd.s32 v5, v12  }
0xd9: {  	v21 =	vmul.f32 v16, v16;
	v22 =	vmul.f32 v16, v8;
	v15 =	vsub.f32 v15, v17  }
0xda: {  	v12 =	vadd.s32 v6, v12;
	v13 =	vld.idx.msk [tilespmem:v13+s26+$0x0], $0xffff  }
0xdb: {  	v23 =	vmul.f32 v21, v7;
	[tilespmem:v14+s29+$0x0] =	vst.idx.add.f32.msk $0xffff, v15;
	v14 =	vsub.f32 v16, v22  }
0xdc: {  	v15 =	vld.idx.msk [tilespmem:v18+s26+$0x0], $0xffff  }
0xdd: {  	[tilespmem:v19+s29+$0x0] =	vst.idx.add.f32.msk $0xffff, v14;
	v14 =	vsub.f32 v21, v23  }
0xde: {  	v16 =	vmul.f32 $5.000000000e-01, v17;
	v17 =	vld.idx.msk [tilespmem:v20+s26+$0x0], $0xffff  }
0xdf: {  	[tilespmem:v12+s29+$0x0] =	vst.idx.add.f32.msk $0xffff, v14  }
0xe0: {  	v12 =	vmul.f32 v16, v13;
	v13 =	vld [tilespmem:s1+$0x20]  }
0xe1: {  	v14 =	vld [tilespmem:s1+$0x1920]  }
0xe2: {  	v11 =	vadd.f32 v12, v11;
	v12 =	vmul.f32 v22, v15;
	v15 =	vadd.f32 v23, v23;
	_ =	sdelay $0x1  }
0xe3: {  	v11 =	vadd.f32 v11, v12;
	v12 =	vmul.f32 v15, v17  }
0xe4: {  	v13 =	vsub.f32 v10, v13  }
0xe5: {  	v11 =	vadd.f32 v12, v11;
	v12 =	vadd.s32 v0, v14  }
0xe6: {  	v13 =	vmul.f32 $-5.000000000e-01, v13;
	_ =	sdelay $0x1  }
0xe7: {  	v13 =	vmul.f32 $1.442695020e+00, v13;
	_ =	sdelay $0x1  }
0xe8: {  	v12 =	vld.idx.msk [tilespmem:v12+s26+$0x0], $0xffff;
	(erf) = vpow2.f32 v13;
	_ =	sdelay $0x8  }
0xe9: {  	v13 =	vadd.s32 v1, v14;
	v15 =	vpop (erf)  }
0xea: {  	v18 =	vadd.s32 v3, v14;
	v16 =	vmul.f32 v15, v15;
	v17 =	vmul.f32 v15, v9  }
0xeb: {  	v19 =	vadd.s32 v4, v14;
	v20 =	vadd.s32 v5, v14  }
0xec: {  	v21 =	vmul.f32 v16, v16;
	v22 =	vmul.f32 v16, v8;
	v15 =	vsub.f32 v15, v17  }
0xed: {  	v14 =	vadd.s32 v6, v14;
	v17 =	vmul.f32 $5.000000000e-01, v17  }
0xee: {  	v23 =	vmul.f32 v21, v7;
	[tilespmem:v13+s29+$0x0] =	vst.idx.add.f32.msk $0xffff, v15;
	v13 =	vsub.f32 v16, v22  }
0xef: {  	v12 =	vmul.f32 v17, v12;
	v15 =	vld.idx.msk [tilespmem:v18+s26+$0x0], $0xffff  }
0xf0: {  	[tilespmem:v19+s29+$0x0] =	vst.idx.add.f32.msk $0xffff, v13;
	v13 =	vsub.f32 v21, v23  }
0xf1: {  	v11 =	vadd.f32 v12, v11;
	v12 =	vld.idx.msk [tilespmem:v20+s26+$0x0], $0xffff  }
0xf2: {  	[tilespmem:v14+s29+$0x0] =	vst.idx.add.f32.msk $0xffff, v13  }
0xf3: {  	v13 =	vld [tilespmem:s1+$0x30]  }
0xf4: {  	v14 =	vld [tilespmem:s1+$0x1930]  }
0xf5: {  	v16 =	vadd.f32 v23, v23;
	v15 =	vmul.f32 v22, v15;
	_ =	sdelay $0x1  }
0xf6: {  	v11 =	vadd.f32 v11, v15;
	v12 =	vmul.f32 v16, v12  }
0xf7: {  	v13 =	vsub.f32 v10, v13  }
0xf8: {  	v11 =	vadd.f32 v12, v11;
	v12 =	vadd.s32 v0, v14  }
0xf9: {  	v13 =	vmul.f32 $-5.000000000e-01, v13;
	_ =	sdelay $0x1  }
0xfa: {  	v13 =	vmul.f32 $1.442695020e+00, v13;
	_ =	sdelay $0x1  }
0xfb: {  	v12 =	vld.idx.msk [tilespmem:v12+s26+$0x0], $0xffff;
	(erf) = vpow2.f32 v13;
	_ =	sdelay $0x8  }
0xfc: {  	v13 =	vadd.s32 v1, v14;
	v15 =	vpop (erf)  }
0xfd: {  	v18 =	vadd.s32 v3, v14;
	v16 =	vmul.f32 v15, v15;
	v17 =	vmul.f32 v15, v9  }
0xfe: {  	v19 =	vadd.s32 v4, v14;
	v20 =	vadd.s32 v5, v14  }
0xff: {  	v21 =	vmul.f32 v16, v16;
	v22 =	vmul.f32 v16, v8;
	v15 =	vsub.f32 v15, v17  }
0x100: {  	v14 =	vadd.s32 v6, v14;
	v17 =	vmul.f32 $5.000000000e-01, v17  }
0x101: {  	v23 =	vmul.f32 v21, v7;
	[tilespmem:v13+s29+$0x0] =	vst.idx.add.f32.msk $0xffff, v15;
	v13 =	vsub.f32 v16, v22  }
0x102: {  	v12 =	vmul.f32 v17, v12;
	v15 =	vld.idx.msk [tilespmem:v18+s26+$0x0], $0xffff  }
0x103: {  	[tilespmem:v19+s29+$0x0] =	vst.idx.add.f32.msk $0xffff, v13;
	v13 =	vsub.f32 v21, v23  }
0x104: {  	v16 =	vld.idx.msk [tilespmem:v20+s26+$0x0], $0xffff  }
0x105: {  	s1 =	sshra.s32 s17, $0x2;
	[tilespmem:v14+s29+$0x0] =	vst.idx.add.f32.msk $0xffff, v13  }
0x106: {  	v13 =	vld [tilespmem:s1+$0x0]  }
.Ltmp1:
0x107: {  	(pc) =	sbr.rel @p0 .LBB2_4-.Ltmp1, $3  }
0x108: {  	v11 =	vadd.f32 v12, v11;
	v14 =	vadd.f32 v23, v23;
	v12 =	vmul.f32 v22, v15;
	_ =	sdelay $0x1  }
0x109: {  	v11 =	vadd.f32 v11, v12;
	v12 =	vmul.f32 v14, v16  }
0x10a: {  	v13 =	vsub.f32 v10, v13  }
0x10b: {  	_ = 	snop  }
0x10c: {  	v13 =	vmul.f32 $-5.000000000e-01, v13;
	_ =	sdelay $0x1  }
0x10d: {  	v13 =	vmul.f32 $1.442695020e+00, v13;
	_ =	sdelay $0x1  }
0x10e: {  	(erf) = vpow2.f32 v13;
	_ =	sdelay $0x2  }
0x10f: {  	v42 =	vld [tilespmem:s1+$0x1900];
	_ =	sdelay $0x4  }
0x110: {  	v14 =	vadd.s32 v0, v42  }
0x111: {  	v15 =	vadd.s32 v1, v42;
	v16 =	vpop (erf)  }
0x112: {  	v19 =	vadd.s32 v3, v42;
	v17 =	vmul.f32 v16, v16;
	v18 =	vmul.f32 v16, v9  }
0x113: {  	v20 =	vadd.s32 v4, v42;
	v21 =	vadd.s32 v5, v42  }
0x114: {  	v22 =	vmul.f32 v17, v17;
	v23 =	vmul.f32 v17, v8;
	v16 =	vsub.f32 v16, v18  }
0x115: {  	v13 =	vadd.s32 v6, v42;
	v14 =	vld.idx.msk [tilespmem:v14+s26+$0x0], $0xffff  }
0x116: {  	v24 =	vmul.f32 v22, v7;
	[tilespmem:v15+s29+$0x0] =	vst.idx.add.f32.msk $0xffff, v16;
	v43 =	vsub.f32 v17, v23  }
0x117: {  	v16 =	vld.idx.msk [tilespmem:v19+s26+$0x0], $0xffff  }
0x118: {  	[tilespmem:v20+s29+$0x0] =	vst.idx.add.f32.msk $0xffff, v43;
	v44 =	vsub.f32 v22, v24  }
0x119: {  	v45 =	vld.idx.msk [tilespmem:v21+s26+$0x0], $0xffff  }
0x11a: {  	[tilespmem:v13+s29+$0x0] =	vst.idx.add.f32.msk $0xffff, v44  }
0x11b: {  	v13 =	vld [tilespmem:s1+$0x10];
	_ =	sdelay $0x4  }
0x11c: {  	v13 =	vsub.f32 v10, v13;
	_ =	sdelay $0x1  }
0x11d: {  	v13 =	vmul.f32 $-5.000000000e-01, v13;
	_ =	sdelay $0x1  }
0x11e: {  	v13 =	vmul.f32 $1.442695020e+00, v13;
	_ =	sdelay $0x1  }
0x11f: {  	(erf) = vpow2.f32 v13;
	_ =	sdelay $0x2  }
0x120: {  	v46 =	vld [tilespmem:s1+$0x1910];
	_ =	sdelay $0x4  }
0x121: {  	v47 =	vadd.s32 v0, v46  }
0x122: {  	v48 =	vadd.s32 v1, v46;
	v49 =	vpop (erf)  }
0x123: {  	v25 =	vadd.s32 v3, v46;
	v50 =	vmul.f32 v49, v49;
	v51 =	vmul.f32 v49, v9  }
0x124: {  	v26 =	vadd.s32 v4, v46;
	v27 =	vadd.s32 v5, v46  }
0x125: {  	v28 =	vmul.f32 v50, v50;
	v29 =	vmul.f32 v50, v8;
	v20 =	vsub.f32 v49, v51  }
0x126: {  	v15 =	vld.idx.msk [tilespmem:v47+s26+$0x0], $0xffff;
	v13 =	vadd.s32 v6, v46  }
0x127: {  	v30 =	vmul.f32 v28, v7;
	[tilespmem:v48+s29+$0x0] =	vst.idx.add.f32.msk $0xffff, v20;
	v52 =	vsub.f32 v50, v29  }
0x128: {  	v20 =	vld.idx.msk [tilespmem:v25+s26+$0x0], $0xffff  }
0x129: {  	[tilespmem:v26+s29+$0x0] =	vst.idx.add.f32.msk $0xffff, v52;
	v53 =	vsub.f32 v28, v30  }
0x12a: {  	v54 =	vld.idx.msk [tilespmem:v27+s26+$0x0], $0xffff  }
0x12b: {  	[tilespmem:v13+s29+$0x0] =	vst.idx.add.f32.msk $0xffff, v53  }
0x12c: {  	v13 =	vld [tilespmem:s1+$0x20];
	_ =	sdelay $0x4  }
0x12d: {  	v13 =	vsub.f32 v10, v13;
	_ =	sdelay $0x1  }
0x12e: {  	v13 =	vmul.f32 $-5.000000000e-01, v13;
	_ =	sdelay $0x1  }
0x12f: {  	v13 =	vmul.f32 $1.442695020e+00, v13;
	_ =	sdelay $0x1  }
0x130: {  	(erf) = vpow2.f32 v13;
	_ =	sdelay $0x2  }
0x131: {  	v55 =	vld [tilespmem:s1+$0x1920];
	_ =	sdelay $0x4  }
0x132: {  	v56 =	vadd.s32 v0, v55  }
0x133: {  	v57 =	vadd.s32 v1, v55;
	v58 =	vpop (erf)  }
0x134: {  	v31 =	vadd.s32 v3, v55;
	v59 =	vmul.f32 v58, v58;
	v60 =	vmul.f32 v58, v9  }
0x135: {  	v32 =	vadd.s32 v4, v55;
	v33 =	vadd.s32 v5, v55  }
0x136: {  	v34 =	vmul.f32 v59, v59;
	v35 =	vmul.f32 v59, v8;
	v26 =	vsub.f32 v58, v60  }
0x137: {  	v19 =	vld.idx.msk [tilespmem:v56+s26+$0x0], $0xffff;
	v13 =	vadd.s32 v6, v55  }
0x138: {  	[tilespmem:v57+s29+$0x0] =	vst.idx.add.f32.msk $0xffff, v26;
	v61 =	vmul.f32 v34, v7;
	v62 =	vsub.f32 v59, v35  }
0x139: {  	v63 =	vld.idx.msk [tilespmem:v31+s26+$0x0], $0xffff  }
0x13a: {  	[tilespmem:v32+s29+$0x0] =	vst.idx.add.f32.msk $0xffff, v62;
	v36 =	vsub.f32 v34, v61  }
0x13b: {  	v37 =	vld.idx.msk [tilespmem:v33+s26+$0x0], $0xffff  }
0x13c: {  	[tilespmem:v13+s29+$0x0] =	vst.idx.add.f32.msk $0xffff, v36  }
0x13d: {  	v13 =	vld [tilespmem:s1+$0x30];
	_ =	sdelay $0x4  }
0x13e: {  	v38 =	vsub.f32 v10, v13;
	_ =	sdelay $0x1  }
0x13f: {  	v10 =	vmul.f32 $-5.000000000e-01, v38;
	_ =	sdelay $0x1  }
0x140: {  	v39 =	vmul.f32 $5.000000000e-01, v18;
	v10 =	vmul.f32 $1.442695020e+00, v10;
	_ =	sdelay $0x1  }
0x141: {  	v11 =	vadd.f32 v12, v11;
	v40 =	vmul.f32 v39, v14;
	(erf) = vpow2.f32 v10;
	_ =	sdelay $0x1  }
0x142: {  	v11 =	vadd.f32 v40, v11;
	v42 =	vadd.f32 v24, v24;
	v41 =	vmul.f32 v23, v16  }
0x143: {  	v44 =	vld [tilespmem:s1+$0x1930]  }
0x144: {  	v11 =	vadd.f32 v11, v41;
	v43 =	vmul.f32 $5.000000000e-01, v51;
	v10 =	vmul.f32 v42, v45;
	_ =	sdelay $0x1  }
0x145: {  	v47 =	vadd.f32 v30, v30;
	v45 =	vmul.f32 v43, v15;
	v10 =	vadd.f32 v10, v11  }
0x146: {  	v46 =	vmul.f32 v29, v20  }
0x147: {  	v12 =	vmul.f32 v47, v54;
	v48 =	vadd.s32 v0, v44;
	v10 =	vadd.f32 v45, v10  }
0x148: {  	v49 =	vmul.f32 $5.000000000e-01, v60;
	v50 =	vadd.s32 v1, v44;
	v54 =	vadd.s32 v3, v44;
	v51 =	vpop (erf)  }
0x149: {  	v10 =	vadd.f32 v10, v46;
	v52 =	vmul.f32 v51, v51;
	v53 =	vmul.f32 v51, v9  }
0x14a: {  	v55 =	vmul.f32 v49, v19;
	v56 =	vadd.s32 v4, v44;
	v57 =	vadd.s32 v5, v44  }
0x14b: {  	v10 =	vadd.f32 v12, v10;
	v8 =	vmul.f32 v52, v8;
	v16 =	vsub.f32 v51, v53  }
0x14c: {  	v58 =	vadd.f32 v61, v61;
	v59 =	vmul.f32 v35, v63;
	v11 =	vld.idx.msk [tilespmem:v48+s26+$0x0], $0xffff  }
0x14d: {  	v10 =	vadd.f32 v55, v10;
	[tilespmem:v50+s29+$0x0] =	vst.idx.add.f32.msk $0xffff, v16;
	v60 =	vsub.f32 v52, v8  }
0x14e: {  	v12 =	vmul.f32 v58, v37;
	v16 =	vld.idx.msk [tilespmem:v54+s26+$0x0], $0xffff  }
0x14f: {  	v10 =	vadd.f32 v10, v59;
	v17 =	vmul.f32 v52, v52;
	v9 =	vmul.f32 $5.000000000e-01, v53;
	[tilespmem:v56+s29+$0x0] =	vst.idx.add.f32.msk $0xffff, v60  }
0x150: {  	v14 =	vld.idx.msk [tilespmem:v57+s26+$0x0], $0xffff  }
0x151: {  	v10 =	vadd.f32 v12, v10;
	v7 =	vmul.f32 v17, v7;
	v9 =	vmul.f32 v9, v11  }
0x152: {  	v61 =	vadd.s32 v6, v44  }
0x153: {  	v9 =	vadd.f32 v9, v10;
	v62 =	vadd.f32 v7, v7;
	v8 =	vmul.f32 v8, v16;
	_ =	sdelay $0x1  }
0x154: {  	v8 =	vadd.f32 v9, v8;
	v63 =	vmul.f32 v62, v14  }
0x155: {  	v7 =	vsub.f32 v17, v7  }
0x156: {  	v8 =	vadd.f32 v63, v8  }
0x157: {  	[tilespmem:v61+s29+$0x0] =	vst.idx.add.f32.msk $0xffff, v7  }
0x158: {  	[tilespmem:$0x1A970] =	vst v8  }
0x159: {  	_ =	swait.ge [sflag:s23], $0xC80  }
0x15a: {  	[sflag:s23] =	ssyncset.done $0x0  }
0x15b: {  	[sflag:s23] =	ssyncadd.s32 $0xFFFFF380  }
0x15c: {  	_ =	swait.ge [sflag:s23], $0xC80  }
0x15d: {  	[sflag:s23] =	ssyncset.done $0x0  }
0x15e: {  	[sflag:s23] =	ssyncadd.s32 $0xFFFFF380  }
0x15f: {  	_ =	swait.ge [sflag:s23], $0x10  }
0x160: {  	[sflag:s23] =	ssyncset.done $0x0  }
0x161: {  	[sflag:s23] =	ssyncadd.s32 $0xFFFFFFF0  }
0x162: {  	_ =	swait.ge [sflag:s23], $0x10  }
0x163: {  	[sflag:s23] =	ssyncset.done $0x0  }
0x164: {  	[sflag:s23] =	ssyncadd.s32 $0xFFFFFFF0  }
0x165: {  	v7 =	vld [tilespmem:$0x3230];
	_ =	sdelay $0x4  }
0x166: {  	[tilespmem:$0x3240] =	vst v7;
	v8 =	vadd.s32 $0x3E8, v7  }
0x167: {  	v7 =	vadd.s32 $0x7D0, v7;
	[tilespmem:$0x3250] =	vst v8  }
0x168: {  	[tilespmem:$0x3260] =	vst v7  }
0x169: {  	[tilespmem:s26], [sflag:$0x2] =	stream.indirect.gather [hbm4b:s3+s24], $0x3E8, s25, s24, $0xb8;
	[tilespmem:$0x1A990] =	vst v63  }
0x16a: {  	s17 =	simm.s32 $0x0  }
0x16b: {  	[hbm4b:s12+s17] =	stream.linear.scatter [tilespmem:s29], [sflag:$0x3], $0xBB80, $0x38;
	[tilespmem:$0x1A990] =	vst v63  }
0x16c: {  	_ =	swait.ge [sflag:s30], $0xBB80  }
0x16d: {  	[sflag:s30] =	ssyncset.done $0x0  }
0x16e: {  	s16 =	simm.s32 $0x600;
	s1 =	simm.s32 $0x0;
	[sflag:s30] =	ssyncadd.s32 $0xFFFF4480  }
.LBB2_6:
0x16f: {  	p0 =	sne.s32 s16, $0x2E800;
	[tilespmem:s1+$0xEF60] =	vst v2  }
0x170: {  	[tilespmem:s1+$0xEDF0] =	vst v2  }
0x171: {  	[tilespmem:s1+$0xEE00] =	vst v2  }
0x172: {  	[tilespmem:s1+$0xEE10] =	vst v2  }
0x173: {  	[tilespmem:s1+$0xEE20] =	vst v2  }
0x174: {  	[tilespmem:s1+$0xEE30] =	vst v2  }
0x175: {  	[tilespmem:s1+$0xEE40] =	vst v2  }
0x176: {  	[tilespmem:s1+$0xEE50] =	vst v2  }
0x177: {  	[tilespmem:s1+$0xEE60] =	vst v2  }
0x178: {  	[tilespmem:s1+$0xEE70] =	vst v2  }
0x179: {  	[tilespmem:s1+$0xEE80] =	vst v2  }
0x17a: {  	[tilespmem:s1+$0xEE90] =	vst v2  }
0x17b: {  	[tilespmem:s1+$0xEEA0] =	vst v2  }
0x17c: {  	[tilespmem:s1+$0xEEB0] =	vst v2  }
0x17d: {  	[tilespmem:s1+$0xEEC0] =	vst v2  }
0x17e: {  	[tilespmem:s1+$0xEED0] =	vst v2  }
0x17f: {  	[tilespmem:s1+$0xEEE0] =	vst v2  }
0x180: {  	[tilespmem:s1+$0xEEF0] =	vst v2  }
0x181: {  	[tilespmem:s1+$0xEF00] =	vst v2  }
.Ltmp2:
0x182: {  	[tilespmem:s1+$0xEF10] =	vst v2;
	(pc) =	sbr.rel @p0 .LBB2_6-.Ltmp2, $4  }
0x183: {  	[tilespmem:s1+$0xEF20] =	vst v2  }
0x184: {  	[tilespmem:s1+$0xEF30] =	vst v2  }
0x185: {  	[tilespmem:s1+$0xEF40] =	vst v2  }
0x186: {  	[tilespmem:s1+$0xEF50] =	vst v2;
	s1 =	sshra.s32 s16, $0x2;
	s16 =	sadd.s32 $0x600, s16  }
0x187: {  	[tilespmem:s1+$0xEF60] =	vst v2  }
0x188: {  	[tilespmem:s1+$0xEDF0] =	vst v2  }
0x189: {  	[tilespmem:s1+$0xEE00] =	vst v2  }
0x18a: {  	[tilespmem:s1+$0xEE10] =	vst v2  }
0x18b: {  	[tilespmem:s1+$0xEE20] =	vst v2  }
0x18c: {  	[tilespmem:s1+$0xEE30] =	vst v2  }
0x18d: {  	[tilespmem:s1+$0xEE40] =	vst v2  }
0x18e: {  	[tilespmem:s1+$0xEE50] =	vst v2  }
0x18f: {  	[tilespmem:s1+$0xEE60] =	vst v2  }
0x190: {  	[tilespmem:s1+$0xEE70] =	vst v2  }
0x191: {  	[tilespmem:s1+$0xEE80] =	vst v2  }
0x192: {  	[tilespmem:s1+$0xEE90] =	vst v2  }
0x193: {  	[tilespmem:s1+$0xEEA0] =	vst v2  }
0x194: {  	[tilespmem:s1+$0xEEB0] =	vst v2  }
0x195: {  	[tilespmem:s1+$0xEEC0] =	vst v2  }
0x196: {  	[tilespmem:s1+$0xEED0] =	vst v2  }
0x197: {  	[tilespmem:s1+$0xEEE0] =	vst v2  }
0x198: {  	[tilespmem:s1+$0xEEF0] =	vst v2  }
0x199: {  	[tilespmem:s1+$0xEF00] =	vst v2  }
0x19a: {  	[tilespmem:s1+$0xEF10] =	vst v2  }
0x19b: {  	[tilespmem:s1+$0xEF20] =	vst v2  }
0x19c: {  	[tilespmem:s1+$0xEF30] =	vst v2  }
0x19d: {  	[tilespmem:s1+$0xEF40] =	vst v2  }
0x19e: {  	[tilespmem:s1+$0xEF50] =	vst v2  }
0x19f: {  	_ =	swait.ge [sflag:s28], $0xBB80  }
0x1a0: {  	[sflag:s28] =	ssyncset.done $0x0  }
0x1a1: {  	[sflag:s28] =	ssyncadd.s32 $0xFFFF4480  }
0x1a2: {  	v7 =	vld [tilespmem:$0x3210]  }
0x1a3: {  	s17 =	simm.s32 $0x0;
	v10 =	vld [tilespmem:$0x18F0]  }
0x1a4: {  	v8 =	vld [tilespmem:s17+$0xC80];
	_ =	sdelay $0x3  }
0x1a5: {  	v7 =	vsub.f32 v7, v10  }
0x1a6: {  	v8 =	vsub.f32 v10, v8  }
0x1a7: {  	v7 =	vmul.f32 $-5.000000000e-01, v7  }
0x1a8: {  	v8 =	vmul.f32 $-5.000000000e-01, v8  }
0x1a9: {  	v7 =	vmul.f32 $1.442695020e+00, v7  }
0x1aa: {  	v8 =	vmul.f32 $1.442695020e+00, v8  }
0x1ab: {  	(erf) = vpow2.f32 v7  }
0x1ac: {  	(erf) = vpow2.f32 v8;
	_ =	sdelay $0x2  }
0x1ad: {  	v11 =	vld [tilespmem:s17+$0x2580];
	_ =	sdelay $0x4  }
0x1ae: {  	v12 =	vadd.s32 v0, v11;
	v9 =	vpop (erf)  }
0x1af: {  	v13 =	vadd.s32 v1, v11;
	v8 =	vmul.f32 v9, v9;
	v14 =	vpop (erf)  }
0x1b0: {  	v17 =	vadd.s32 v3, v11;
	v15 =	vmul.f32 v14, v14;
	v16 =	vmul.f32 v14, v9  }
0x1b1: {  	v18 =	vadd.s32 v4, v11;
	v19 =	vadd.s32 v5, v11;
	v7 =	vmul.f32 v8, v8  }
0x1b2: {  	v20 =	vmul.f32 v15, v15;
	v21 =	vmul.f32 v15, v8;
	v14 =	vsub.f32 v14, v16  }
0x1b3: {  	v11 =	vadd.s32 v6, v11;
	v12 =	vld.idx.msk [tilespmem:v12+s26+$0x0], $0xffff  }
0x1b4: {  	v22 =	vmul.f32 v20, v7;
	[tilespmem:v13+s29+$0x0] =	vst.idx.add.f32.msk $0xffff, v14;
	v13 =	vsub.f32 v15, v21  }
0x1b5: {  	v14 =	vld.idx.msk [tilespmem:v17+s26+$0x0], $0xffff  }
0x1b6: {  	[tilespmem:v18+s29+$0x0] =	vst.idx.add.f32.msk $0xffff, v13;
	v13 =	vsub.f32 v20, v22  }
0x1b7: {  	v15 =	vld.idx.msk [tilespmem:v19+s26+$0x0], $0xffff  }
0x1b8: {  	[tilespmem:v11+s29+$0x0] =	vst.idx.add.f32.msk $0xffff, v13  }
0x1b9: {  	v11 =	vld [tilespmem:s17+$0xC90];
	_ =	sdelay $0x4  }
0x1ba: {  	v11 =	vsub.f32 v10, v11;
	_ =	sdelay $0x1  }
0x1bb: {  	v11 =	vmul.f32 $-5.000000000e-01, v11;
	_ =	sdelay $0x1  }
0x1bc: {  	v11 =	vmul.f32 $1.442695020e+00, v11;
	_ =	sdelay $0x1  }
0x1bd: {  	(erf) = vpow2.f32 v11;
	_ =	sdelay $0x2  }
0x1be: {  	v11 =	vld [tilespmem:s17+$0x2590];
	_ =	sdelay $0x4  }
0x1bf: {  	v13 =	vadd.s32 v0, v11  }
0x1c0: {  	v37 =	vadd.s32 v1, v11;
	v38 =	vpop (erf)  }
0x1c1: {  	v23 =	vadd.s32 v3, v11;
	v39 =	vmul.f32 v38, v38;
	v40 =	vmul.f32 v38, v9  }
0x1c2: {  	v24 =	vadd.s32 v4, v11;
	v25 =	vadd.s32 v5, v11  }
0x1c3: {  	v26 =	vmul.f32 v39, v39;
	v27 =	vmul.f32 v39, v8;
	v18 =	vsub.f32 v38, v40  }
0x1c4: {  	v11 =	vadd.s32 v6, v11;
	v13 =	vld.idx.msk [tilespmem:v13+s26+$0x0], $0xffff  }
0x1c5: {  	v28 =	vmul.f32 v26, v7;
	[tilespmem:v37+s29+$0x0] =	vst.idx.add.f32.msk $0xffff, v18;
	v41 =	vsub.f32 v39, v27  }
0x1c6: {  	v18 =	vld.idx.msk [tilespmem:v23+s26+$0x0], $0xffff  }
0x1c7: {  	[tilespmem:v24+s29+$0x0] =	vst.idx.add.f32.msk $0xffff, v41;
	v42 =	vsub.f32 v26, v28  }
0x1c8: {  	v43 =	vld.idx.msk [tilespmem:v25+s26+$0x0], $0xffff  }
0x1c9: {  	[tilespmem:v11+s29+$0x0] =	vst.idx.add.f32.msk $0xffff, v42  }
0x1ca: {  	v11 =	vld [tilespmem:s17+$0xCA0];
	_ =	sdelay $0x4  }
0x1cb: {  	v11 =	vsub.f32 v10, v11;
	_ =	sdelay $0x1  }
0x1cc: {  	v11 =	vmul.f32 $-5.000000000e-01, v11;
	_ =	sdelay $0x1  }
0x1cd: {  	v11 =	vmul.f32 $1.442695020e+00, v11;
	_ =	sdelay $0x1  }
0x1ce: {  	(erf) = vpow2.f32 v11;
	_ =	sdelay $0x2  }
0x1cf: {  	v11 =	vld [tilespmem:s17+$0x25A0];
	_ =	sdelay $0x4  }
0x1d0: {  	v44 =	vadd.s32 v0, v11  }
0x1d1: {  	v45 =	vadd.s32 v1, v11;
	v46 =	vpop (erf)  }
0x1d2: {  	v29 =	vadd.s32 v3, v11;
	v47 =	vmul.f32 v46, v46;
	v48 =	vmul.f32 v46, v9  }
0x1d3: {  	v30 =	vadd.s32 v4, v11;
	v31 =	vadd.s32 v5, v11  }
0x1d4: {  	v32 =	vmul.f32 v47, v47;
	v33 =	vmul.f32 v47, v8;
	v24 =	vsub.f32 v46, v48  }
0x1d5: {  	v11 =	vadd.s32 v6, v11;
	v17 =	vld.idx.msk [tilespmem:v44+s26+$0x0], $0xffff  }
0x1d6: {  	[tilespmem:v45+s29+$0x0] =	vst.idx.add.f32.msk $0xffff, v24;
	v49 =	vmul.f32 v32, v7;
	v50 =	vsub.f32 v47, v33  }
0x1d7: {  	v51 =	vld.idx.msk [tilespmem:v29+s26+$0x0], $0xffff  }
0x1d8: {  	[tilespmem:v30+s29+$0x0] =	vst.idx.add.f32.msk $0xffff, v50;
	v52 =	vsub.f32 v32, v49  }
0x1d9: {  	v53 =	vld.idx.msk [tilespmem:v31+s26+$0x0], $0xffff  }
0x1da: {  	[tilespmem:v11+s29+$0x0] =	vst.idx.add.f32.msk $0xffff, v52  }
0x1db: {  	v11 =	vld [tilespmem:s17+$0xCB0];
	_ =	sdelay $0x4  }
0x1dc: {  	v11 =	vsub.f32 v10, v11;
	_ =	sdelay $0x1  }
0x1dd: {  	v11 =	vmul.f32 $-5.000000000e-01, v11;
	_ =	sdelay $0x1  }
0x1de: {  	v16 =	vmul.f32 $5.000000000e-01, v16;
	v11 =	vmul.f32 $1.442695020e+00, v11;
	_ =	sdelay $0x1  }
0x1df: {  	v12 =	vmul.f32 v16, v12;
	(erf) = vpow2.f32 v11  }
0x1e0: {  	v11 =	vimm.f32 $0.0e+00  }
0x1e1: {  	v11 =	vadd.f32 v12, v11;
	v12 =	vmul.f32 v21, v14;
	v14 =	vadd.f32 v22, v22  }
0x1e2: {  	v54 =	vld [tilespmem:s17+$0x25B0]  }
0x1e3: {  	v11 =	vadd.f32 v11, v12;
	v12 =	vmul.f32 v14, v15;
	v14 =	vmul.f32 $5.000000000e-01, v40;
	_ =	sdelay $0x1  }
0x1e4: {  	v11 =	vadd.f32 v12, v11;
	v12 =	vmul.f32 v14, v13;
	_ =	sdelay $0x1  }
0x1e5: {  	v13 =	vadd.s32 v0, v54;
	v11 =	vadd.f32 v12, v11;
	v12 =	vmul.f32 v27, v18  }
0x1e6: {  	v15 =	vadd.s32 v1, v54;
	v14 =	vadd.f32 v28, v28;
	v55 =	vpop (erf)  }
0x1e7: {  	v11 =	vadd.f32 v11, v12;
	v12 =	vmul.f32 v55, v9  }
0x1e8: {  	v14 =	vmul.f32 v14, v43;
	v56 =	vmul.f32 v55, v55  }
0x1e9: {  	v57 =	vadd.s32 v3, v54;
	v58 =	vadd.s32 v4, v54;
	v18 =	vsub.f32 v55, v12  }
0x1ea: {  	v13 =	vld.idx.msk [tilespmem:v13+s26+$0x0], $0xffff;
	v11 =	vadd.f32 v14, v11;
	v14 =	vmul.f32 $5.000000000e-01, v48;
	v59 =	vmul.f32 v56, v8  }
0x1eb: {  	v60 =	vmul.f32 v56, v56;
	[tilespmem:v15+s29+$0x0] =	vst.idx.add.f32.msk $0xffff, v18;
	v15 =	vadd.s32 v5, v54  }
0x1ec: {  	v16 =	vadd.s32 v6, v54;
	v14 =	vmul.f32 v14, v17  }
0x1ed: {  	v61 =	vsub.f32 v56, v59;
	v62 =	vmul.f32 v60, v7  }
0x1ee: {  	v63 =	vadd.f32 v49, v49;
	v20 =	vld.idx.msk [tilespmem:v57+s26+$0x0], $0xffff;
	v11 =	vadd.f32 v14, v11;
	v14 =	vmul.f32 v33, v51  }
0x1ef: {  	[tilespmem:v58+s29+$0x0] =	vst.idx.add.f32.msk $0xffff, v61;
	v18 =	vsub.f32 v60, v62  }
0x1f0: {  	v12 =	vmul.f32 $5.000000000e-01, v12;
	v11 =	vadd.f32 v11, v14;
	v14 =	vmul.f32 v63, v53;
	v15 =	vld.idx.msk [tilespmem:v15+s26+$0x0], $0xffff  }
0x1f1: {  	s1 =	simm.s32 $0x40;
	[tilespmem:v16+s29+$0x0] =	vst.idx.add.f32.msk $0xffff, v18  }
0x1f2: {  	v12 =	vmul.f32 v12, v13;
	v11 =	vadd.f32 v14, v11;
	v16 =	vld [tilespmem:s1+$0xC80];
	_ =	sdelay $0x1  }
0x1f3: {  	v13 =	vadd.f32 v62, v62;
	v11 =	vadd.f32 v12, v11;
	v12 =	vmul.f32 v59, v20;
	_ =	sdelay $0x1  }
0x1f4: {  	v11 =	vadd.f32 v11, v12;
	v12 =	vmul.f32 v13, v15  }
0x1f5: {  	s16 =	simm.s32 $0x200;
	v13 =	vsub.f32 v10, v16  }
.LBB2_8:
0x1f6: {  	p0 =	sne.s32 s16, $0x3100;
	v11 =	vadd.f32 v12, v11;
	s17 =	smov.u32 s16;
	s16 =	sadd.s32 $0x100, s16  }
0x1f7: {  	v12 =	vmul.f32 $-5.000000000e-01, v13;
	_ =	sdelay $0x1  }
0x1f8: {  	v12 =	vmul.f32 $1.442695020e+00, v12;
	_ =	sdelay $0x1  }
0x1f9: {  	(erf) = vpow2.f32 v12;
	_ =	sdelay $0x2  }
0x1fa: {  	v12 =	vld [tilespmem:s1+$0x2580];
	_ =	sdelay $0x4  }
0x1fb: {  	v13 =	vadd.s32 v0, v12  }
0x1fc: {  	v14 =	vadd.s32 v1, v12;
	v15 =	vpop (erf)  }
0x1fd: {  	v18 =	vadd.s32 v3, v12;
	v16 =	vmul.f32 v15, v15;
	v17 =	vmul.f32 v15, v9  }
0x1fe: {  	v19 =	vadd.s32 v4, v12;
	v20 =	vadd.s32 v5, v12  }
0x1ff: {  	v21 =	vmul.f32 v16, v16;
	v22 =	vmul.f32 v16, v8;
	v15 =	vsub.f32 v15, v17  }
0x200: {  	v12 =	vadd.s32 v6, v12;
	v17 =	vmul.f32 $5.000000000e-01, v17;
	v13 =	vld.idx.msk [tilespmem:v13+s26+$0x0], $0xffff  }
0x201: {  	v23 =	vmul.f32 v21, v7;
	[tilespmem:v14+s29+$0x0] =	vst.idx.add.f32.msk $0xffff, v15;
	v14 =	vsub.f32 v16, v22  }
0x202: {  	v15 =	vld.idx.msk [tilespmem:v18+s26+$0x0], $0xffff  }
0x203: {  	[tilespmem:v19+s29+$0x0] =	vst.idx.add.f32.msk $0xffff, v14;
	v14 =	vsub.f32 v21, v23  }
0x204: {  	v16 =	vld.idx.msk [tilespmem:v20+s26+$0x0], $0xffff  }
0x205: {  	[tilespmem:v12+s29+$0x0] =	vst.idx.add.f32.msk $0xffff, v14  }
0x206: {  	v12 =	vmul.f32 v17, v13;
	v13 =	vld [tilespmem:s1+$0xC90];
	_ =	sdelay $0x1  }
0x207: {  	v14 =	vadd.f32 v23, v23;
	v11 =	vadd.f32 v12, v11;
	v12 =	vmul.f32 v22, v15;
	_ =	sdelay $0x1  }
0x208: {  	v11 =	vadd.f32 v11, v12;
	v12 =	vmul.f32 v14, v16  }
0x209: {  	v13 =	vsub.f32 v10, v13  }
0x20a: {  	v11 =	vadd.f32 v12, v11  }
0x20b: {  	v12 =	vmul.f32 $-5.000000000e-01, v13;
	_ =	sdelay $0x1  }
0x20c: {  	v12 =	vmul.f32 $1.442695020e+00, v12;
	_ =	sdelay $0x1  }
0x20d: {  	(erf) = vpow2.f32 v12;
	_ =	sdelay $0x2  }
0x20e: {  	v12 =	vld [tilespmem:s1+$0x2590];
	_ =	sdelay $0x4  }
0x20f: {  	v13 =	vadd.s32 v0, v12  }
0x210: {  	v14 =	vadd.s32 v1, v12;
	v15 =	vpop (erf)  }
0x211: {  	v18 =	vadd.s32 v3, v12;
	v16 =	vmul.f32 v15, v15;
	v17 =	vmul.f32 v15, v9  }
0x212: {  	v19 =	vadd.s32 v4, v12;
	v20 =	vadd.s32 v5, v12  }
0x213: {  	v21 =	vmul.f32 v16, v16;
	v22 =	vmul.f32 v16, v8;
	v15 =	vsub.f32 v15, v17  }
0x214: {  	v12 =	vadd.s32 v6, v12;
	v13 =	vld.idx.msk [tilespmem:v13+s26+$0x0], $0xffff  }
0x215: {  	v23 =	vmul.f32 v21, v7;
	[tilespmem:v14+s29+$0x0] =	vst.idx.add.f32.msk $0xffff, v15;
	v14 =	vsub.f32 v16, v22  }
0x216: {  	v15 =	vld.idx.msk [tilespmem:v18+s26+$0x0], $0xffff  }
0x217: {  	[tilespmem:v19+s29+$0x0] =	vst.idx.add.f32.msk $0xffff, v14;
	v14 =	vsub.f32 v21, v23  }
0x218: {  	v16 =	vmul.f32 $5.000000000e-01, v17;
	v17 =	vld.idx.msk [tilespmem:v20+s26+$0x0], $0xffff  }
0x219: {  	[tilespmem:v12+s29+$0x0] =	vst.idx.add.f32.msk $0xffff, v14  }
0x21a: {  	v12 =	vmul.f32 v16, v13;
	v13 =	vld [tilespmem:s1+$0xCA0]  }
0x21b: {  	v14 =	vld [tilespmem:s1+$0x25A0]  }
0x21c: {  	v11 =	vadd.f32 v12, v11;
	v12 =	vmul.f32 v22, v15;
	v15 =	vadd.f32 v23, v23;
	_ =	sdelay $0x1  }
0x21d: {  	v11 =	vadd.f32 v11, v12;
	v12 =	vmul.f32 v15, v17  }
0x21e: {  	v13 =	vsub.f32 v10, v13  }
0x21f: {  	v11 =	vadd.f32 v12, v11;
	v12 =	vadd.s32 v0, v14  }
0x220: {  	v13 =	vmul.f32 $-5.000000000e-01, v13;
	_ =	sdelay $0x1  }
0x221: {  	v13 =	vmul.f32 $1.442695020e+00, v13;
	_ =	sdelay $0x1  }
0x222: {  	v12 =	vld.idx.msk [tilespmem:v12+s26+$0x0], $0xffff;
	(erf) = vpow2.f32 v13;
	_ =	sdelay $0x8  }
0x223: {  	v13 =	vadd.s32 v1, v14;
	v15 =	vpop (erf)  }
0x224: {  	v18 =	vadd.s32 v3, v14;
	v16 =	vmul.f32 v15, v15;
	v17 =	vmul.f32 v15, v9  }
0x225: {  	v19 =	vadd.s32 v4, v14;
	v20 =	vadd.s32 v5, v14  }
0x226: {  	v21 =	vmul.f32 v16, v16;
	v22 =	vmul.f32 v16, v8;
	v15 =	vsub.f32 v15, v17  }
0x227: {  	v14 =	vadd.s32 v6, v14;
	v17 =	vmul.f32 $5.000000000e-01, v17  }
0x228: {  	v23 =	vmul.f32 v21, v7;
	[tilespmem:v13+s29+$0x0] =	vst.idx.add.f32.msk $0xffff, v15;
	v13 =	vsub.f32 v16, v22  }
0x229: {  	v12 =	vmul.f32 v17, v12;
	v15 =	vld.idx.msk [tilespmem:v18+s26+$0x0], $0xffff  }
0x22a: {  	[tilespmem:v19+s29+$0x0] =	vst.idx.add.f32.msk $0xffff, v13;
	v13 =	vsub.f32 v21, v23  }
0x22b: {  	v11 =	vadd.f32 v12, v11;
	v12 =	vld.idx.msk [tilespmem:v20+s26+$0x0], $0xffff  }
0x22c: {  	[tilespmem:v14+s29+$0x0] =	vst.idx.add.f32.msk $0xffff, v13  }
0x22d: {  	v13 =	vld [tilespmem:s1+$0xCB0]  }
0x22e: {  	v14 =	vld [tilespmem:s1+$0x25B0]  }
0x22f: {  	v16 =	vadd.f32 v23, v23;
	v15 =	vmul.f32 v22, v15;
	_ =	sdelay $0x1  }
0x230: {  	v11 =	vadd.f32 v11, v15;
	v12 =	vmul.f32 v16, v12  }
0x231: {  	v13 =	vsub.f32 v10, v13  }
0x232: {  	v11 =	vadd.f32 v12, v11;
	v12 =	vadd.s32 v0, v14  }
0x233: {  	v13 =	vmul.f32 $-5.000000000e-01, v13;
	_ =	sdelay $0x1  }
0x234: {  	v13 =	vmul.f32 $1.442695020e+00, v13;
	_ =	sdelay $0x1  }
0x235: {  	v12 =	vld.idx.msk [tilespmem:v12+s26+$0x0], $0xffff;
	(erf) = vpow2.f32 v13;
	_ =	sdelay $0x8  }
0x236: {  	v13 =	vadd.s32 v1, v14;
	v15 =	vpop (erf)  }
0x237: {  	v18 =	vadd.s32 v3, v14;
	v16 =	vmul.f32 v15, v15;
	v17 =	vmul.f32 v15, v9  }
0x238: {  	v19 =	vadd.s32 v4, v14;
	v20 =	vadd.s32 v5, v14  }
0x239: {  	v21 =	vmul.f32 v16, v16;
	v22 =	vmul.f32 v16, v8;
	v15 =	vsub.f32 v15, v17  }
0x23a: {  	v14 =	vadd.s32 v6, v14;
	v17 =	vmul.f32 $5.000000000e-01, v17  }
0x23b: {  	v23 =	vmul.f32 v21, v7;
	[tilespmem:v13+s29+$0x0] =	vst.idx.add.f32.msk $0xffff, v15;
	v13 =	vsub.f32 v16, v22  }
0x23c: {  	v12 =	vmul.f32 v17, v12;
	v15 =	vld.idx.msk [tilespmem:v18+s26+$0x0], $0xffff  }
0x23d: {  	[tilespmem:v19+s29+$0x0] =	vst.idx.add.f32.msk $0xffff, v13;
	v13 =	vsub.f32 v21, v23  }
0x23e: {  	v16 =	vld.idx.msk [tilespmem:v20+s26+$0x0], $0xffff  }
0x23f: {  	s1 =	sshra.s32 s17, $0x2;
	[tilespmem:v14+s29+$0x0] =	vst.idx.add.f32.msk $0xffff, v13  }
0x240: {  	v13 =	vld [tilespmem:s1+$0xC80]  }
.Ltmp3:
0x241: {  	(pc) =	sbr.rel @p0 .LBB2_8-.Ltmp3, $3  }
0x242: {  	v11 =	vadd.f32 v12, v11;
	v14 =	vadd.f32 v23, v23;
	v12 =	vmul.f32 v22, v15;
	_ =	sdelay $0x1  }
0x243: {  	v11 =	vadd.f32 v11, v12;
	v12 =	vmul.f32 v14, v16  }
0x244: {  	v13 =	vsub.f32 v10, v13  }
0x245: {  	_ = 	snop  }
0x246: {  	v13 =	vmul.f32 $-5.000000000e-01, v13;
	_ =	sdelay $0x1  }
0x247: {  	v13 =	vmul.f32 $1.442695020e+00, v13;
	_ =	sdelay $0x1  }
0x248: {  	(erf) = vpow2.f32 v13;
	_ =	sdelay $0x2  }
0x249: {  	v42 =	vld [tilespmem:s1+$0x2580];
	_ =	sdelay $0x4  }
0x24a: {  	v14 =	vadd.s32 v0, v42  }
0x24b: {  	v15 =	vadd.s32 v1, v42;
	v16 =	vpop (erf)  }
0x24c: {  	v19 =	vadd.s32 v3, v42;
	v17 =	vmul.f32 v16, v16;
	v18 =	vmul.f32 v16, v9  }
0x24d: {  	v20 =	vadd.s32 v4, v42;
	v21 =	vadd.s32 v5, v42  }
0x24e: {  	v22 =	vmul.f32 v17, v17;
	v23 =	vmul.f32 v17, v8;
	v16 =	vsub.f32 v16, v18  }
0x24f: {  	v13 =	vadd.s32 v6, v42;
	v14 =	vld.idx.msk [tilespmem:v14+s26+$0x0], $0xffff  }
0x250: {  	v24 =	vmul.f32 v22, v7;
	[tilespmem:v15+s29+$0x0] =	vst.idx.add.f32.msk $0xffff, v16;
	v43 =	vsub.f32 v17, v23  }
0x251: {  	v16 =	vld.idx.msk [tilespmem:v19+s26+$0x0], $0xffff  }
0x252: {  	[tilespmem:v20+s29+$0x0] =	vst.idx.add.f32.msk $0xffff, v43;
	v44 =	vsub.f32 v22, v24  }
0x253: {  	v45 =	vld.idx.msk [tilespmem:v21+s26+$0x0], $0xffff  }
0x254: {  	[tilespmem:v13+s29+$0x0] =	vst.idx.add.f32.msk $0xffff, v44  }
0x255: {  	v13 =	vld [tilespmem:s1+$0xC90];
	_ =	sdelay $0x4  }
0x256: {  	v13 =	vsub.f32 v10, v13;
	_ =	sdelay $0x1  }
0x257: {  	v13 =	vmul.f32 $-5.000000000e-01, v13;
	_ =	sdelay $0x1  }
0x258: {  	v13 =	vmul.f32 $1.442695020e+00, v13;
	_ =	sdelay $0x1  }
0x259: {  	(erf) = vpow2.f32 v13;
	_ =	sdelay $0x2  }
0x25a: {  	v46 =	vld [tilespmem:s1+$0x2590];
	_ =	sdelay $0x4  }
0x25b: {  	v47 =	vadd.s32 v0, v46  }
0x25c: {  	v48 =	vadd.s32 v1, v46;
	v49 =	vpop (erf)  }
0x25d: {  	v25 =	vadd.s32 v3, v46;
	v50 =	vmul.f32 v49, v49;
	v51 =	vmul.f32 v49, v9  }
0x25e: {  	v26 =	vadd.s32 v4, v46;
	v27 =	vadd.s32 v5, v46  }
0x25f: {  	v28 =	vmul.f32 v50, v50;
	v29 =	vmul.f32 v50, v8;
	v20 =	vsub.f32 v49, v51  }
0x260: {  	v15 =	vld.idx.msk [tilespmem:v47+s26+$0x0], $0xffff;
	v13 =	vadd.s32 v6, v46  }
0x261: {  	v30 =	vmul.f32 v28, v7;
	[tilespmem:v48+s29+$0x0] =	vst.idx.add.f32.msk $0xffff, v20;
	v52 =	vsub.f32 v50, v29  }
0x262: {  	v20 =	vld.idx.msk [tilespmem:v25+s26+$0x0], $0xffff  }
0x263: {  	[tilespmem:v26+s29+$0x0] =	vst.idx.add.f32.msk $0xffff, v52;
	v53 =	vsub.f32 v28, v30  }
0x264: {  	v54 =	vld.idx.msk [tilespmem:v27+s26+$0x0], $0xffff  }
0x265: {  	[tilespmem:v13+s29+$0x0] =	vst.idx.add.f32.msk $0xffff, v53  }
0x266: {  	v13 =	vld [tilespmem:s1+$0xCA0];
	_ =	sdelay $0x4  }
0x267: {  	v13 =	vsub.f32 v10, v13;
	_ =	sdelay $0x1  }
0x268: {  	v13 =	vmul.f32 $-5.000000000e-01, v13;
	_ =	sdelay $0x1  }
0x269: {  	v13 =	vmul.f32 $1.442695020e+00, v13;
	_ =	sdelay $0x1  }
0x26a: {  	(erf) = vpow2.f32 v13;
	_ =	sdelay $0x2  }
0x26b: {  	v55 =	vld [tilespmem:s1+$0x25A0];
	_ =	sdelay $0x4  }
0x26c: {  	v56 =	vadd.s32 v0, v55  }
0x26d: {  	v57 =	vadd.s32 v1, v55;
	v58 =	vpop (erf)  }
0x26e: {  	v31 =	vadd.s32 v3, v55;
	v59 =	vmul.f32 v58, v58;
	v60 =	vmul.f32 v58, v9  }
0x26f: {  	v32 =	vadd.s32 v4, v55;
	v33 =	vadd.s32 v5, v55  }
0x270: {  	v34 =	vmul.f32 v59, v59;
	v35 =	vmul.f32 v59, v8;
	v26 =	vsub.f32 v58, v60  }
0x271: {  	v19 =	vld.idx.msk [tilespmem:v56+s26+$0x0], $0xffff;
	v13 =	vadd.s32 v6, v55  }
0x272: {  	[tilespmem:v57+s29+$0x0] =	vst.idx.add.f32.msk $0xffff, v26;
	v61 =	vmul.f32 v34, v7;
	v62 =	vsub.f32 v59, v35  }
0x273: {  	v63 =	vld.idx.msk [tilespmem:v31+s26+$0x0], $0xffff  }
0x274: {  	[tilespmem:v32+s29+$0x0] =	vst.idx.add.f32.msk $0xffff, v62;
	v36 =	vsub.f32 v34, v61  }
0x275: {  	v37 =	vld.idx.msk [tilespmem:v33+s26+$0x0], $0xffff  }
0x276: {  	[tilespmem:v13+s29+$0x0] =	vst.idx.add.f32.msk $0xffff, v36  }
0x277: {  	v13 =	vld [tilespmem:s1+$0xCB0];
	_ =	sdelay $0x4  }
0x278: {  	v38 =	vsub.f32 v10, v13;
	_ =	sdelay $0x1  }
0x279: {  	v10 =	vmul.f32 $-5.000000000e-01, v38;
	_ =	sdelay $0x1  }
0x27a: {  	v39 =	vmul.f32 $5.000000000e-01, v18;
	v10 =	vmul.f32 $1.442695020e+00, v10;
	_ =	sdelay $0x1  }
0x27b: {  	v11 =	vadd.f32 v12, v11;
	v40 =	vmul.f32 v39, v14;
	(erf) = vpow2.f32 v10;
	_ =	sdelay $0x1  }
0x27c: {  	v11 =	vadd.f32 v40, v11;
	v42 =	vadd.f32 v24, v24;
	v41 =	vmul.f32 v23, v16  }
0x27d: {  	v44 =	vld [tilespmem:s1+$0x25B0]  }
0x27e: {  	v11 =	vadd.f32 v11, v41;
	v43 =	vmul.f32 $5.000000000e-01, v51;
	v10 =	vmul.f32 v42, v45;
	_ =	sdelay $0x1  }
0x27f: {  	v47 =	vadd.f32 v30, v30;
	v45 =	vmul.f32 v43, v15;
	v10 =	vadd.f32 v10, v11  }
0x280: {  	v46 =	vmul.f32 v29, v20  }
0x281: {  	v12 =	vmul.f32 v47, v54;
	v48 =	vadd.s32 v0, v44;
	v10 =	vadd.f32 v45, v10  }
0x282: {  	v49 =	vmul.f32 $5.000000000e-01, v60;
	v50 =	vadd.s32 v1, v44;
	v54 =	vadd.s32 v3, v44;
	v51 =	vpop (erf)  }
0x283: {  	v10 =	vadd.f32 v10, v46;
	v52 =	vmul.f32 v51, v51;
	v53 =	vmul.f32 v51, v9  }
0x284: {  	v55 =	vmul.f32 v49, v19;
	v56 =	vadd.s32 v4, v44;
	v57 =	vadd.s32 v5, v44  }
0x285: {  	v10 =	vadd.f32 v12, v10;
	v8 =	vmul.f32 v52, v8;
	v16 =	vsub.f32 v51, v53  }
0x286: {  	v58 =	vadd.f32 v61, v61;
	v59 =	vmul.f32 v35, v63;
	v11 =	vld.idx.msk [tilespmem:v48+s26+$0x0], $0xffff  }
0x287: {  	v10 =	vadd.f32 v55, v10;
	[tilespmem:v50+s29+$0x0] =	vst.idx.add.f32.msk $0xffff, v16;
	v60 =	vsub.f32 v52, v8  }
0x288: {  	v12 =	vmul.f32 v58, v37;
	v16 =	vld.idx.msk [tilespmem:v54+s26+$0x0], $0xffff  }
0x289: {  	v10 =	vadd.f32 v10, v59;
	v17 =	vmul.f32 v52, v52;
	v9 =	vmul.f32 $5.000000000e-01, v53;
	[tilespmem:v56+s29+$0x0] =	vst.idx.add.f32.msk $0xffff, v60  }
0x28a: {  	v14 =	vld.idx.msk [tilespmem:v57+s26+$0x0], $0xffff  }
0x28b: {  	v10 =	vadd.f32 v12, v10;
	v7 =	vmul.f32 v17, v7;
	v9 =	vmul.f32 v9, v11  }
0x28c: {  	v61 =	vadd.s32 v6, v44  }
0x28d: {  	v9 =	vadd.f32 v9, v10;
	v62 =	vadd.f32 v7, v7;
	v8 =	vmul.f32 v8, v16;
	_ =	sdelay $0x1  }
0x28e: {  	v8 =	vadd.f32 v9, v8;
	v63 =	vmul.f32 v62, v14  }
0x28f: {  	v7 =	vsub.f32 v17, v7  }
0x290: {  	v8 =	vadd.f32 v63, v8  }
0x291: {  	[tilespmem:v61+s29+$0x0] =	vst.idx.add.f32.msk $0xffff, v7  }
0x292: {  	[tilespmem:$0x1A980] =	vst v8  }
0x293: {  	[hbm4b:s13+s2] =	stream.linear.scatter [tilespmem:s29], [sflag:$0x3], $0xBB80, $0x38;
	[tilespmem:$0x1A990] =	vst v63  }
0x294: {  	s0 =	sadd.s32 $0x1, s0  }
0x295: {  	[hbm4b:s14+s2] =	stream.linear.scatter [tilespmem:s31], [sflag:$0x2], $0x20, $0x38;
	[tilespmem:$0x1A990] =	vst v63  }
0x296: {  	p0 =	sne.s32 s0, s15;
	_ =	swait.ge [sflag:s30], $0xBB80  }
.Ltmp4:
0x297: {  	[sflag:s30] =	ssyncset.done $0x0;
	(pc) =	sbr.rel @p0 .LBB2_1-.Ltmp4, $4  }
0x298: {  	[sflag:s30] =	ssyncadd.s32 $0xFFFF4480  }
0x299: {  	_ =	swait.ge [sflag:s28], $0x20  }
0x29a: {  	[sflag:s28] =	ssyncset.done $0x0  }
0x29b: {  	[sflag:s28] =	ssyncadd.s32 $0xFFFFFFE0  }
0x29c: {  	_ =	sfence.sel $0x180000  }
0x29d: {  	[bflag:$0x0] =	sbarrier.arrive $0xFFFF  }
0x29e: {  	_ =	strace $0x90000047  }
0x29f: {  	s0 =	stileid.u32;
	[bflag:$0x2] =	sbarrier.arrive $0xFFFF  }
0x2a0: {  	p0 =	sne.s32 s0, $0x0;
	s0 =	rddreg [dreg:$0x5]  }
0x2a1: {  	s0 =	sadd.s32 @!p0 $0x100000, s0  }
0x2a2: {  	[sflag:s0] =	ssyncadd.tile.s32 @!p0 $0x1;
	_ =	shalt  }
.Lfunc_end2:
_tile_overlayer_lowered:
.L_overlay_start_2:
0x2a3: {  	(tag) =	ssettag $0x2  }
0x2a4: {  	s0 =	rddreg [dreg:$0x0];
	s2 =	stileid.u32  }
0x2a5: {  	s1 =	rddreg [dreg:$0x1];
	p0 =	sne.s32 s2, $0x0  }
0x2a6: {  	s3 =	rddreg [dreg:$0x2];
	[bflag:$0x3] =	sbarrier.arrive $0xFFFF;
	s2 =	simm.s32 @!p0 $0x1C04  }
0x2a7: {  	[timem:s3], [sflag:s2] =	dma.local @!p0 [hbm:s0], s1  }
0x2a8: {  	s0 =	simm.s32 @!p0 $0x4  }
0x2a9: {  	_ =	swait.ge @!p0 [sflag:s0], s1  }
0x2aa: {  	s1 =	ssub.s32 @!p0 $0x0, s1;
	[sflag:s0] =	ssyncset.done @!p0 $0x0  }
0x2ab: {  	[sflag:s0] =	ssyncadd.s32 @!p0 s1  }
0x2ac: {  	[bflag:$0x3] =	sbarrier.arrive $0xFFFF  }
0x2ad: {  	_ =	shalt  }

</sc_bundles>
